<compile_context>
chip_gen: v7x
topology: tpu7x:2x2x1
jax: 0.10.2.dev20260603
libtpu: 0.0.44.dev20260713+nightly
codegen_flags: <defaults>
</compile_context>

<pallas_src>
import functools

import jax
import jax.numpy as jnp
from jax import lax
from jax.experimental import pallas as pl
from jax.experimental.pallas import tpu as pltpu
from jax.experimental.pallas import tpu_sc as plsc

_BN_EPS = 1e-5
_NEG = float("-inf")



def _norms_body(w_ref, o_ref):
    w = w_ref[...]
    o_ref[...] = jnp.sqrt(jnp.sum(w * w, axis=1, keepdims=True))


def _norms_call(emb_pad, np_, br):
    d = emb_pad.shape[1]
    return pl.pallas_call(
        _norms_body,
        grid=(np_ // br,),
        in_specs=[pl.BlockSpec((br, d), lambda i: (i, 0))],
        out_specs=pl.BlockSpec((br, 1), lambda i: (i, 0)),
        out_shape=jax.ShapeDtypeStruct((np_, 1), jnp.float32),
    )(emb_pad)



def _topk_body(n, k, w_blk_ref, w_all_ref, nb_ref, na_ref, idx_ref, sc_ref):
    wb = w_blk_ref[...]
    wa = w_all_ref[...]
    dots = lax.dot_general(
        wb, wa, (((1,), (1,)), ((), ())),
        precision=lax.Precision.HIGHEST, preferred_element_type=jnp.float32)
    cos = dots / (nb_ref[...] * na_ref[...])
    col = lax.broadcasted_iota(jnp.int32, cos.shape, 1)
    sc_ref[...] = jnp.where(col < n, cos, _NEG)
    br = cos.shape[0]
    big = jnp.int32(cos.shape[1])
    col16 = lax.broadcasted_iota(jnp.int32, (br, k), 1)

    def body(kk, acc):
        vals = sc_ref[...]
        m = jnp.max(vals, axis=1, keepdims=True)
        sel = jnp.where(vals == m, col, big)
        idx = jnp.min(sel, axis=1, keepdims=True)
        sc_ref[...] = jnp.where(col == idx, _NEG, vals)
        return jnp.where(col16 == kk, idx, acc)

    idx_ref[...] = lax.fori_loop(0, k, body, jnp.zeros((br, k), jnp.int32))


def _topk_call(emb_pad, nrm_col, nrm_row, n, np_, k, br):
    d = emb_pad.shape[1]
    return pl.pallas_call(
        functools.partial(_topk_body, n, k),
        grid=(np_ // br,),
        in_specs=[
            pl.BlockSpec((br, d), lambda i: (i, 0)),
            pl.BlockSpec((np_, d), lambda i: (0, 0)),
            pl.BlockSpec((br, 1), lambda i: (i, 0)),
            pl.BlockSpec((1, np_), lambda i: (0, 0)),
        ],
        out_specs=pl.BlockSpec((br, k), lambda i: (i, 0)),
        out_shape=jax.ShapeDtypeStruct((np_, k), jnp.int32),
        scratch_shapes=[pltpu.VMEM((br, np_), jnp.float32)],
    )(emb_pad, emb_pad, nrm_col, nrm_row)



def _prep_body(x_ref, e_ref, w_ref, p_ref, xl_ref, s_ref, t_ref):
    x = x_ref[...]
    e = e_ref[...]
    xl = lax.dot_general(
        x, w_ref[...], (((1,), (1,)), ((), ())),
        precision=lax.Precision.HIGHEST, preferred_element_type=jnp.float32)
    xl_ref[...] = xl
    ai = p_ref[0:1, :]
    aei = p_ref[1:2, :]
    aj = p_ref[2:3, :]
    aej = p_ref[3:4, :]
    s_ref[...] = (jnp.sum(xl * ai, axis=1, keepdims=True)
                  + jnp.sum(e * aei, axis=1, keepdims=True))
    t_ref[...] = (jnp.sum(xl * aj, axis=1, keepdims=True)
                  + jnp.sum(e * aej, axis=1, keepdims=True))


def _prep_call(x_pad, emb_pad, lin_W, params, np_, b, br):
    d = x_pad.shape[1]
    nblk = np_ // br
    return pl.pallas_call(
        _prep_body,
        grid=(b * nblk,),
        in_specs=[
            pl.BlockSpec((br, d), lambda i: (i, 0)),
            pl.BlockSpec((br, d), lambda i, _n=nblk: (i % _n, 0)),
            pl.BlockSpec((d, d), lambda i: (0, 0)),
            pl.BlockSpec((16, d), lambda i: (0, 0)),
        ],
        out_specs=[
            pl.BlockSpec((br, d), lambda i: (i, 0)),
            pl.BlockSpec((br, 1), lambda i: (i, 0)),
            pl.BlockSpec((br, 1), lambda i: (i, 0)),
        ],
        out_shape=[
            jax.ShapeDtypeStruct((b * np_, d), jnp.float32),
            jax.ShapeDtypeStruct((b * np_, 1), jnp.float32),
            jax.ShapeDtypeStruct((b * np_, 1), jnp.float32),
        ],
    )(x_pad, emb_pad, lin_W, params)



def _make_sc_gather(n, np_, b, k, d):
    info = plsc.get_sparse_core_info()
    nc, ns = info.num_cores, info.num_subcores
    nw = nc * ns
    wpb = nw // b
    npw = n // wpb
    cn = 5
    nch = npw // cn
    ce = cn * k
    mesh = plsc.VectorSubcoreMesh(core_axis_name="c", subcore_axis_name="s")

    @functools.partial(
        pl.kernel, mesh=mesh,
        out_type=[
            jax.ShapeDtypeStruct((b * np_ * k, d), jnp.float32),
            jax.ShapeDtypeStruct((b * np_ * k,), jnp.float32),
        ],
        scratch_types=[
            pltpu.VMEM((ce,), jnp.int32),
            pltpu.VMEM((ce,), jnp.int32),
            pltpu.VMEM((ce, d), jnp.float32),
            pltpu.VMEM((ce,), jnp.float32),
            pltpu.SemaphoreType.DMA,
            pltpu.SemaphoreType.DMA,
        ],
    )
    def sc_gather(idx_hbm, xl_hbm, t_hbm, g_out, te_out,
                  idxv, idxg, rows_v, te_v, sem, sem2):
        wid = lax.axis_index("s") * nc + lax.axis_index("c")
        bat = wid // wpb
        n0 = (wid % wpb) * npw
        boff = bat * np_

        def body(c, _):
            nloc = n0 + c * cn
            pltpu.sync_copy(idx_hbm.at[pl.ds(nloc * k, ce)], idxv)
            for j in range(cn):
                iv = idxv[pl.ds(16 * j, 16)]
                idxg[pl.ds(16 * j, 16)] = iv + boff
            cp1 = pltpu.async_copy(xl_hbm.at[idxg], rows_v, sem)
            cp2 = pltpu.async_copy(t_hbm.at[idxg], te_v, sem2)
            cp1.wait()
            cp2.wait()
            e0 = (boff + nloc) * k
            pltpu.sync_copy(rows_v, g_out.at[pl.ds(e0, ce)])
            pltpu.sync_copy(te_v, te_out.at[pl.ds(e0, ce)])
            return _

        lax.fori_loop(0, nch, body, 0)

    return sc_gather



def _agg_body(nblk, kk, eps, xl_ref, s_ref, t_ref, e_ref, idx_ref, g_ref,
              te_ref, p_ref, ob_ref, o_ref):
    i = pl.program_id(0)
    nb = lax.rem(i, nblk)
    br, d = xl_ref.shape
    s_d = s_ref[...]
    col = lax.broadcasted_iota(jnp.int32, (br, d), 1)
    a_k = s_d + te_ref[...]
    a_k = jnp.where(a_k >= 0, a_k, 0.2 * a_k)
    nodeid = nb * br + lax.broadcasted_iota(jnp.int32, (br, d), 0)
    valid = (col < kk) & (idx_ref[...] != nodeid)
    a_k = jnp.where(valid, a_k, _NEG)
    a_s = s_d + t_ref[...]
    a_s = jnp.where(a_s >= 0, a_s, 0.2 * a_s)
    amax = jnp.maximum(jnp.max(a_k, axis=1, keepdims=True), a_s)
    e_k = jnp.exp(a_k - amax)
    e_s = jnp.exp(a_s - amax)
    den = jnp.sum(e_k, axis=1, keepdims=True) + e_s + 1e-16
    wk = e_k / den
    g3 = g_ref[...].reshape(br, kk, d)
    gcn = (e_s / den) * xl_ref[...]
    for k2 in range(kk):
        wcol = jnp.sum(jnp.where(col == k2, wk, 0.0), axis=1, keepdims=True)
        gcn = gcn + wcol * g3[:, k2, :]
    gcn = gcn + p_ref[4:5, :]
    h = gcn * e_ref[...]
    h = h / jnp.sqrt(1.0 + eps) * p_ref[5:6, :] + p_ref[6:7, :]
    h = jnp.maximum(h, 0.0)
    o = jnp.sum(h * p_ref[7:8, :], axis=1, keepdims=True)
    o_ref[...] = o + ob_ref[...]


def _agg_call(xl, s, t, emb_pad, idx128, g, te128, params, ob_col,
              np_, b, k, br):
    d = xl.shape[1]
    nblk = np_ // br
    return pl.pallas_call(
        functools.partial(_agg_body, nblk, k, _BN_EPS),
        grid=(b * nblk,),
        in_specs=[
            pl.BlockSpec((br, d), lambda i: (i, 0)),
            pl.BlockSpec((br, 1), lambda i: (i, 0)),
            pl.BlockSpec((br, 1), lambda i: (i, 0)),
            pl.BlockSpec((br, d), lambda i, _n=nblk: (i % _n, 0)),
            pl.BlockSpec((br, d), lambda i, _n=nblk: (i % _n, 0)),
            pl.BlockSpec((br * k, d), lambda i: (i, 0)),
            pl.BlockSpec((br, d), lambda i: (i, 0)),
            pl.BlockSpec((16, d), lambda i: (0, 0)),
            pl.BlockSpec((br, 1), lambda i: (i, 0)),
        ],
        out_specs=pl.BlockSpec((br, 1), lambda i: (i, 0)),
        out_shape=jax.ShapeDtypeStruct((b * np_, 1), jnp.float32),
    )(xl, s, t, emb_pad, idx128, g, te128, params, ob_col)



def kernel(data, emb, lin_W, att_i, att_j, att_em_i, att_em_j, gat_bias,
           bn_gamma, bn_beta, out_W, out_b):
    b, n, f = data.shape
    d = emb.shape[1]
    k = 16
    br = 256
    np_ = ((n + br - 1) // br) * br

    emb_pad = jnp.pad(emb, ((0, np_ - n), (0, 0)))
    x_pad = jnp.pad(data, ((0, 0), (0, np_ - n), (0, 0))).reshape(b * np_, f)

    params = jnp.zeros((16, d), jnp.float32)
    rows = [att_i, att_em_i, att_j, att_em_j, gat_bias, bn_gamma, bn_beta,
            out_W.reshape(d), jnp.broadcast_to(out_b, (d,))]
    params = params.at[: len(rows)].set(jnp.stack(rows))

    nrm = _norms_call(emb_pad, np_, br)
    idxq = _topk_call(emb_pad, nrm, nrm.T, n, np_, k, br)
    xl, s, t = _prep_call(x_pad, emb_pad, lin_W, params, np_, b, br)

    sc = _make_sc_gather(n, np_, b, k, d)
    g, te_flat = sc(idxq.reshape(-1), xl, t.reshape(-1))
    te128 = jnp.pad(te_flat.reshape(b * np_, k), ((0, 0), (0, d - k)))
    idx128 = jnp.pad(idxq, ((0, 0), (0, d - k)), constant_values=-1)

    ob_col = jnp.broadcast_to(out_b.reshape(1, 1), (b * np_, 1))
    out = _agg_call(xl, s, t, emb_pad, idx128, g, te128, params, ob_col,
                    np_, b, k, br)
    return out.reshape(b, np_)[:, :n]

# --- scband reference (transcript-rebuilt; emitter-appended) ---
"""Pipeline reference for scband-gdn-12695923327310 (READ-ONLY COPY).

The authoritative reference and input builder live on the scoring server;
editing this copy changes nothing except your own understanding.
"""

import jax, jax.numpy as jnp
import numpy as np

NODE_NUM = 10000
DIM = 128
INPUT_DIM = 128
TOPK = 16
BATCH = 2
BN_EPS = 1e-5


def _uniform(k, shape, bound):
    return jax.random.uniform(k, shape, minval=-bound, maxval=bound, dtype=jnp.float32)


def setup_inputs(seed: int = 0):
    key = jax.random.key(seed)
    ks = jax.random.split(key, 10)
    data = jax.random.normal(ks[0], (BATCH, NODE_NUM, INPUT_DIM), dtype=jnp.float32)
    emb = _uniform(ks[1], (NODE_NUM, DIM), 1.0 / np.sqrt(DIM))  # kaiming_uniform a=sqrt(5)
    lin_W = _uniform(ks[2], (DIM, INPUT_DIM), 1.0 / np.sqrt(INPUT_DIM))
    att_i = _uniform(ks[3], (DIM,), np.sqrt(6.0 / DIM))
    att_j = _uniform(ks[4], (DIM,), np.sqrt(6.0 / DIM))
    att_em_i = _uniform(ks[5], (DIM,), np.sqrt(6.0 / DIM))
    att_em_j = _uniform(ks[6], (DIM,), np.sqrt(6.0 / DIM))
    gat_bias = jnp.zeros((DIM,), dtype=jnp.float32)
    bn_gamma = jnp.ones((DIM,), dtype=jnp.float32)
    bn_beta = jnp.zeros((DIM,), dtype=jnp.float32)
    out_W = _uniform(ks[7], (1, DIM), 1.0 / np.sqrt(DIM))
    out_b = _uniform(ks[8], (1,), 1.0 / np.sqrt(DIM))
    return {"data": data, "emb": emb, "lin_W": lin_W, "att_i": att_i, "att_j": att_j,
            "att_em_i": att_em_i, "att_em_j": att_em_j, "gat_bias": gat_bias,
            "bn_gamma": bn_gamma, "bn_beta": bn_beta, "out_W": out_W, "out_b": out_b}


def _build_edges(emb):
    # Graph structure learning: topk cosine similarity on DETACHED embeddings
    # (weights_arr = all_embeddings.detach().clone() in torch), so edges are constants.
    w = jax.lax.stop_gradient(emb).astype(jnp.float32)
    nrm = jnp.linalg.norm(w, axis=-1)
    cos = jnp.matmul(w, w.T, precision=jax.lax.Precision.HIGHEST) / (nrm[:, None] * nrm[None, :])
    topk_idx = jax.lax.top_k(cos, TOPK)[1]
    gated_i = jnp.repeat(jnp.arange(NODE_NUM), TOPK)     # dst
    gated_j = topk_idx.reshape(-1)                       # src
    offs = jnp.arange(BATCH) * NODE_NUM                  # get_batch_edge_index
    src = (gated_j[None, :] + offs[:, None]).reshape(-1)
    dst = (gated_i[None, :] + offs[:, None]).reshape(-1)
    keep = src != dst                                    # remove_self_loops
    n_total = BATCH * NODE_NUM                           # add_self_loops
    src = jnp.concatenate([src, jnp.arange(n_total)])
    dst = jnp.concatenate([dst, jnp.arange(n_total)])
    mask = jnp.concatenate([keep, jnp.ones((n_total,), dtype=jnp.bool_)])
    return src.astype(jnp.int32), dst.astype(jnp.int32), mask


def _forward(data, emb, lin_W, att_i, att_j, att_em_i, att_em_j, gat_bias, bn_gamma, bn_beta, out_W, out_b, src, dst, mask):
    B, N, F = data.shape
    n_total = B * N
    # x = data.clone().detach() in torch -> no grad to data
    x = jax.lax.stop_gradient(data).reshape(-1, F)
    # GraphLayer (GAT-style with embedding-augmented attention, heads=1)
    xl = x @ lin_W.T                                     # [BN, DIM]
    all_emb = jnp.tile(emb, (B, 1))                      # embedding.repeat(batch_num, 1)
    x_i = xl[dst]
    x_j = xl[src]
    e_i = all_emb[dst]
    e_j = all_emb[src]
    key_i = jnp.concatenate([x_i, e_i], axis=-1)
    key_j = jnp.concatenate([x_j, e_j], axis=-1)
    cat_att_i = jnp.concatenate([att_i, att_em_i])
    cat_att_j = jnp.concatenate([att_j, att_em_j])
    alpha = (key_i * cat_att_i).sum(-1) + (key_j * cat_att_j).sum(-1)
    alpha = jax.nn.leaky_relu(alpha, negative_slope=0.2)
    alpha = jnp.where(mask, alpha, -jnp.inf)
    # softmax over incoming edges per destination node
    amax = jax.ops.segment_max(alpha, dst, num_segments=n_total)
    ex = jnp.exp(alpha - amax[dst])
    denom = jax.ops.segment_sum(ex, dst, num_segments=n_total)
    attn = ex / (denom[dst] + 1e-16)
    gcn = jax.ops.segment_sum(x_j * attn[:, None], dst, num_segments=n_total) + gat_bias
    # out = x * embedding(indexes)
    h = gcn.reshape(B, N, DIM) * emb[None, :, :]
    # BatchNorm1d(dim) in eval mode (running_mean=0, running_var=1), then ReLU; dropout is identity in eval
    h = h / jnp.sqrt(1.0 + BN_EPS) * bn_gamma + bn_beta
    h = jax.nn.relu(h)
    # OutLayer with layer_num=1: single Linear(dim, 1)
    out = h @ out_W.T + out_b                            # [B, N, 1]
    return out.reshape(-1, N)


def reference(data, emb, lin_W, att_i, att_j, att_em_i, att_em_j, gat_bias, bn_gamma, bn_beta, out_W, out_b):
    src, dst, mask = _build_edges(emb)
    return _forward(data, emb, lin_W, att_i, att_j, att_em_i, att_em_j, gat_bias, bn_gamma, bn_beta, out_W, out_b, src, dst, mask)

if __name__ == "__main__":
    import jax
    _d = setup_inputs()
    print(jax.jit(kernel)(*tuple(_d.values())))

</pallas_src>

<mosaic_0001>
#map = affine_map<(d0, d1) -> (0)>
#map1 = affine_map<(d0, d1) -> (0, 0)>
module attributes {stable_mosaic.version = 14 : i64} {
  func.func @sc_gather(%arg0: i32, %arg1: i32, %arg2: memref<163840xi32, #tpu.memory_space<hbm>>, %arg3: memref<20480x128xf32, #tpu.memory_space<hbm>>, %arg4: memref<20480xf32, #tpu.memory_space<hbm>>, %arg5: memref<327680x128xf32, #tpu.memory_space<hbm>>, %arg6: memref<327680xf32, #tpu.memory_space<hbm>>, %arg7: memref<80xi32, #tpu.memory_space<vmem>>, %arg8: memref<80xi32, #tpu.memory_space<vmem>>, %arg9: memref<80x128xf32, #tpu.memory_space<vmem>>, %arg10: memref<80xf32, #tpu.memory_space<vmem>>, %arg11: memref<!tpu.dma_semaphore, #tpu.memory_space<semaphore_mem>>, %arg12: memref<!tpu.dma_semaphore, #tpu.memory_space<semaphore_mem>>) attributes {dimension_semantics = [#tpu.dimension_semantics<core_parallel>, #tpu.dimension_semantics<subcore_parallel>], iteration_bounds = array<i64: 2, 16>, scalar_prefetch = 0 : i64, scratch_operands = 6 : i64, tpu.core_type = #tpu.core_type<sc_vector_subcore>, window_params = [{transform_indices = #map}, {transform_indices = #map1}, {transform_indices = #map}, {transform_indices = #map1}, {transform_indices = #map}]} {
    %mul3A = arith.constant 2 : i32
    %mul3A_0 = arith.muli %arg1, %mul3A : i32
    %add3A = arith.addi %mul3A_0, %arg0 : i32
    %jit3A = arith.constant 16 : i32
    %div3A = arith.divsi %add3A, %jit3A : i32
    %sign3A = arith.constant 0 : i32
    %sign3A_1 = arith.cmpi sgt, %add3A, %sign3A : i32
    %sign3A_2 = arith.extui %sign3A_1 : i1 to i32
    %sign3A_3 = arith.constant 0 : i32
    %sign3A_4 = arith.cmpi slt, %add3A, %sign3A_3 : i32
    %sign3A_5 = arith.extui %sign3A_4 : i1 to i32
    %sign3A_6 = arith.subi %sign3A_2, %sign3A_5 : i32
    %sign3A_7 = arith.constant 0 : i32
    %sign3A_8 = arith.cmpi sgt, %jit3A, %sign3A_7 : i32
    %sign3A_9 = arith.extui %sign3A_8 : i1 to i32
    %sign3A_10 = arith.constant 0 : i32
    %sign3A_11 = arith.cmpi slt, %jit3A, %sign3A_10 : i32
    %sign3A_12 = arith.extui %sign3A_11 : i1 to i32
    %sign3A_13 = arith.subi %sign3A_9, %sign3A_12 : i32
    %ne3A = arith.cmpi ne, %sign3A_6, %sign3A_13 : i32
    %rem3A = arith.remsi %add3A, %jit3A : i32
    %ne3A_14 = arith.constant 0 : i32
    %ne3A_15 = arith.cmpi ne, %rem3A, %ne3A_14 : i32
    %and3A = arith.andi %ne3A, %ne3A_15 : i1
    %sub3A = arith.constant 1 : i32
    %sub3A_16 = arith.subi %div3A, %sub3A : i32
    %select_n3A = arith.select %and3A, %sub3A_16, %div3A : i32
    %jit3A_17 = arith.constant 16 : i32
    %eq3A = arith.constant 0 : i32
    %eq3A_18 = arith.cmpi eq, %jit3A_17, %eq3A : i32
    %jit3A_19 = arith.constant 1 : i32
    %select_n3A_20 = arith.select %eq3A_18, %jit3A_19, %jit3A_17 : i32
    %rem3A_21 = arith.remsi %add3A, %select_n3A_20 : i32
    %ne3A_22 = arith.constant 0 : i32
    %ne3A_23 = arith.cmpi ne, %rem3A_21, %ne3A_22 : i32
    %lt3A = arith.constant 0 : i32
    %lt3A_24 = arith.cmpi slt, %rem3A_21, %lt3A : i32
    %lt3A_25 = arith.constant 0 : i32
    %lt3A_26 = arith.cmpi slt, %select_n3A_20, %lt3A_25 : i32
    %ne3A_27 = arith.xori %lt3A_24, %lt3A_26 : i1
    %and3A_28 = arith.andi %ne3A_27, %ne3A_23 : i1
    %add3A_29 = arith.addi %rem3A_21, %select_n3A_20 : i32
    %select_n3A_30 = arith.select %and3A_28, %add3A_29, %rem3A_21 : i32
    %mul3A_31 = arith.constant 625 : i32
    %mul3A_32 = arith.muli %select_n3A_30, %mul3A_31 : i32
    %mul3A_33 = arith.constant 10240 : i32
    %mul3A_34 = arith.muli %select_n3A, %mul3A_33 : i32
    %scan3A = arith.constant 0 : i32
    %scan3A_35 = arith.constant 0 : i32
    %scan3A_36 = arith.constant 125 : i32
    %scan3A_37 = arith.addi %scan3A_35, %scan3A_36 : i32
    %scan3A_38 = arith.constant 1 : i32
    scf.for %scan3A_40 = %scan3A_35 to %scan3A_37 step %scan3A_38  : i32 {
      %mul3A_41 = arith.constant 5 : i32
      %mul3A_42 = arith.muli %scan3A_40, %mul3A_41 : i32
      %add3A_43 = arith.addi %mul3A_32, %mul3A_42 : i32
      %mul3A_44 = arith.constant 16 : i32
      %mul3A_45 = arith.muli %add3A_43, %mul3A_44 : i32
      "tpu.region"() ({
        %run_scoped3A = tpu.sem_alloc : memref<!tpu.dma_semaphore, #tpu.memory_space<semaphore_mem>>
        %dma_start3A_100 = tpu.memref_slice %arg2[%mul3A_45] : memref<163840xi32, #tpu.memory_space<hbm>> -> memref<80xi32, #tpu.memory_space<hbm>>
        %dma_start3A_101 = tpu.memref_slice %arg2[%mul3A_45] : memref<163840xi32, #tpu.memory_space<hbm>> -> memref<80xi32, #tpu.memory_space<hbm>>
        tpu.enqueue_dma source(%dma_start3A_101 : memref<80xi32, #tpu.memory_space<hbm>>) target(%arg7 : memref<80xi32, #tpu.memory_space<vmem>>) target_semaphore(%run_scoped3A : memref<!tpu.dma_semaphore, #tpu.memory_space<semaphore_mem>>)
        %dma_wait3A_102 = tpu.memref_slice %arg2[%mul3A_45] : memref<163840xi32, #tpu.memory_space<hbm>> -> memref<80xi32, #tpu.memory_space<hbm>>
        %dma_wait3A_103 = tpu.memref_slice %arg2[%mul3A_45] : memref<163840xi32, #tpu.memory_space<hbm>> -> memref<80xi32, #tpu.memory_space<hbm>>
        tpu.wait_dma2 semaphore(%run_scoped3A : memref<!tpu.dma_semaphore, #tpu.memory_space<semaphore_mem>>) src(%dma_wait3A_103 : memref<80xi32, #tpu.memory_space<hbm>>) dst(%arg7 : memref<80xi32, #tpu.memory_space<vmem>>)
        tpu.yield
      }) : () -> ()
      %get3A = arith.constant 0 : index
      %get3A_46 = tpu.vector_load %arg7[%get3A] {strides = array<i32>} : memref<80xi32, #tpu.memory_space<vmem>>, vector<16xi32>,
      %get3A_47 = vector.shape_cast %get3A_46 : vector<16xi32> to vector<16xi32>
      %add3A_48 = vector.broadcast %mul3A_34 : i32 to vector<16xi32>
      %add3A_49 = arith.addi %get3A_47, %add3A_48 : vector<16xi32>
      %swap3A = arith.constant 0 : index
      %swap3A_50 = tpu.vector_load %arg8[%swap3A] {strides = array<i32>} : memref<80xi32, #tpu.memory_space<vmem>>, vector<16xi32>,
      %swap3A_51 = vector.shape_cast %swap3A_50 : vector<16xi32> to vector<16xi32>
      %swap3A_52 = vector.shape_cast %add3A_49 : vector<16xi32> to vector<16xi32>
      tpu.vector_store %arg8[%swap3A], %swap3A_52 {strides = array<i32>} : memref<80xi32, #tpu.memory_space<vmem>>, vector<16xi32>,
      %get3A_53 = arith.constant 16 : index
      %get3A_54 = tpu.vector_load %arg7[%get3A_53] {strides = array<i32>} : memref<80xi32, #tpu.memory_space<vmem>>, vector<16xi32>,
      %get3A_55 = vector.shape_cast %get3A_54 : vector<16xi32> to vector<16xi32>
      %add3A_56 = vector.broadcast %mul3A_34 : i32 to vector<16xi32>
      %add3A_57 = arith.addi %get3A_55, %add3A_56 : vector<16xi32>
      %swap3A_58 = arith.constant 16 : index
      %swap3A_59 = tpu.vector_load %arg8[%swap3A_58] {strides = array<i32>} : memref<80xi32, #tpu.memory_space<vmem>>, vector<16xi32>,
      %swap3A_60 = vector.shape_cast %swap3A_59 : vector<16xi32> to vector<16xi32>
      %swap3A_61 = vector.shape_cast %add3A_57 : vector<16xi32> to vector<16xi32>
      tpu.vector_store %arg8[%swap3A_58], %swap3A_61 {strides = array<i32>} : memref<80xi32, #tpu.memory_space<vmem>>, vector<16xi32>,
      %get3A_62 = arith.constant 32 : index
      %get3A_63 = tpu.vector_load %arg7[%get3A_62] {strides = array<i32>} : memref<80xi32, #tpu.memory_space<vmem>>, vector<16xi32>,
      %get3A_64 = vector.shape_cast %get3A_63 : vector<16xi32> to vector<16xi32>
      %add3A_65 = vector.broadcast %mul3A_34 : i32 to vector<16xi32>
      %add3A_66 = arith.addi %get3A_64, %add3A_65 : vector<16xi32>
      %swap3A_67 = arith.constant 32 : index
      %swap3A_68 = tpu.vector_load %arg8[%swap3A_67] {strides = array<i32>} : memref<80xi32, #tpu.memory_space<vmem>>, vector<16xi32>,
      %swap3A_69 = vector.shape_cast %swap3A_68 : vector<16xi32> to vector<16xi32>
      %swap3A_70 = vector.shape_cast %add3A_66 : vector<16xi32> to vector<16xi32>
      tpu.vector_store %arg8[%swap3A_67], %swap3A_70 {strides = array<i32>} : memref<80xi32, #tpu.memory_space<vmem>>, vector<16xi32>,
      %get3A_71 = arith.constant 48 : index
      %get3A_72 = tpu.vector_load %arg7[%get3A_71] {strides = array<i32>} : memref<80xi32, #tpu.memory_space<vmem>>, vector<16xi32>,
      %get3A_73 = vector.shape_cast %get3A_72 : vector<16xi32> to vector<16xi32>
      %add3A_74 = vector.broadcast %mul3A_34 : i32 to vector<16xi32>
      %add3A_75 = arith.addi %get3A_73, %add3A_74 : vector<16xi32>
      %swap3A_76 = arith.constant 48 : index
      %swap3A_77 = tpu.vector_load %arg8[%swap3A_76] {strides = array<i32>} : memref<80xi32, #tpu.memory_space<vmem>>, vector<16xi32>,
      %swap3A_78 = vector.shape_cast %swap3A_77 : vector<16xi32> to vector<16xi32>
      %swap3A_79 = vector.shape_cast %add3A_75 : vector<16xi32> to vector<16xi32>
      tpu.vector_store %arg8[%swap3A_76], %swap3A_79 {strides = array<i32>} : memref<80xi32, #tpu.memory_space<vmem>>, vector<16xi32>,
      %get3A_80 = arith.constant 64 : index
      %get3A_81 = tpu.vector_load %arg7[%get3A_80] {strides = array<i32>} : memref<80xi32, #tpu.memory_space<vmem>>, vector<16xi32>,
      %get3A_82 = vector.shape_cast %get3A_81 : vector<16xi32> to vector<16xi32>
      %add3A_83 = vector.broadcast %mul3A_34 : i32 to vector<16xi32>
      %add3A_84 = arith.addi %get3A_82, %add3A_83 : vector<16xi32>
      %swap3A_85 = arith.constant 64 : index
      %swap3A_86 = tpu.vector_load %arg8[%swap3A_85] {strides = array<i32>} : memref<80xi32, #tpu.memory_space<vmem>>, vector<16xi32>,
      %swap3A_87 = vector.shape_cast %swap3A_86 : vector<16xi32> to vector<16xi32>
      %swap3A_88 = vector.shape_cast %add3A_84 : vector<16xi32> to vector<16xi32>
      tpu.vector_store %arg8[%swap3A_85], %swap3A_88 {strides = array<i32>} : memref<80xi32, #tpu.memory_space<vmem>>, vector<16xi32>,
      %dma_start3A = arith.constant 0 : i32
      %dma_start3A_89 = arith.constant 0 : i32
      %dma_start3A_90 = tpu.memref_slice %arg3[%dma_start3A, %dma_start3A_89] : memref<20480x128xf32, #tpu.memory_space<hbm>> -> memref<20480x128xf32, #tpu.memory_space<hbm>>
      tpu.enqueue_indirect_dma source(%dma_start3A_90 : memref<20480x128xf32, #tpu.memory_space<hbm>>) target(%arg9 : memref<80x128xf32, #tpu.memory_space<vmem>>) offsets(%arg8 : memref<80xi32, #tpu.memory_space<vmem>>) semaphore(%arg11 : memref<!tpu.dma_semaphore, #tpu.memory_space<semaphore_mem>>)
      %dma_start3A_91 = arith.constant 0 : i32
      %dma_start3A_92 = tpu.memref_slice %arg4[%dma_start3A_91] : memref<20480xf32, #tpu.memory_space<hbm>> -> memref<20480xf32, #tpu.memory_space<hbm>>
      tpu.enqueue_indirect_dma source(%dma_start3A_92 : memref<20480xf32, #tpu.memory_space<hbm>>) target(%arg10 : memref<80xf32, #tpu.memory_space<vmem>>) offsets(%arg8 : memref<80xi32, #tpu.memory_space<vmem>>) semaphore(%arg12 : memref<!tpu.dma_semaphore, #tpu.memory_space<semaphore_mem>>)
      %dma_wait3A = arith.constant 0 : i32
      %dma_wait3A_93 = arith.constant 0 : i32
      %dma_wait3A_94 = tpu.memref_slice %arg3[%dma_wait3A, %dma_wait3A_93] : memref<20480x128xf32, #tpu.memory_space<hbm>> -> memref<20480x128xf32, #tpu.memory_space<hbm>>
      tpu.wait_indirect_dma semaphore(%arg11 : memref<!tpu.dma_semaphore, #tpu.memory_space<semaphore_mem>>) src(%dma_wait3A_94 : memref<20480x128xf32, #tpu.memory_space<hbm>>) dst(%arg9 : memref<80x128xf32, #tpu.memory_space<vmem>>)
      %dma_wait3A_95 = arith.constant 0 : i32
      %dma_wait3A_96 = tpu.memref_slice %arg4[%dma_wait3A_95] : memref<20480xf32, #tpu.memory_space<hbm>> -> memref<20480xf32, #tpu.memory_space<hbm>>
      tpu.wait_indirect_dma semaphore(%arg12 : memref<!tpu.dma_semaphore, #tpu.memory_space<semaphore_mem>>) src(%dma_wait3A_96 : memref<20480xf32, #tpu.memory_space<hbm>>) dst(%arg10 : memref<80xf32, #tpu.memory_space<vmem>>)
      %add3A_97 = arith.addi %mul3A_34, %add3A_43 : i32
      %mul3A_98 = arith.constant 16 : i32
      %mul3A_99 = arith.muli %add3A_97, %mul3A_98 : i32
      "tpu.region"() ({
        %run_scoped3A = tpu.sem_alloc : memref<!tpu.dma_semaphore, #tpu.memory_space<semaphore_mem>>
        %dma_start3A_100 = arith.constant 0 : i32
        %dma_start3A_101 = tpu.memref_slice %arg5[%mul3A_99, %dma_start3A_100] : memref<327680x128xf32, #tpu.memory_space<hbm>> -> memref<80x128xf32, #tpu.memory_space<hbm>>
        %dma_start3A_102 = arith.constant 0 : i32
        %dma_start3A_103 = tpu.memref_slice %arg5[%mul3A_99, %dma_start3A_102] : memref<327680x128xf32, #tpu.memory_space<hbm>> -> memref<80x128xf32, #tpu.memory_space<hbm>>
        tpu.enqueue_dma source(%arg9 : memref<80x128xf32, #tpu.memory_space<vmem>>) target(%dma_start3A_103 : memref<80x128xf32, #tpu.memory_space<hbm>>) target_semaphore(%run_scoped3A : memref<!tpu.dma_semaphore, #tpu.memory_space<semaphore_mem>>)
        %dma_wait3A_104 = arith.constant 0 : i32
        %dma_wait3A_105 = tpu.memref_slice %arg5[%mul3A_99, %dma_wait3A_104] : memref<327680x128xf32, #tpu.memory_space<hbm>> -> memref<80x128xf32, #tpu.memory_space<hbm>>
        %dma_wait3A_106 = arith.constant 0 : i32
        %dma_wait3A_107 = tpu.memref_slice %arg5[%mul3A_99, %dma_wait3A_106] : memref<327680x128xf32, #tpu.memory_space<hbm>> -> memref<80x128xf32, #tpu.memory_space<hbm>>
        tpu.wait_dma2 semaphore(%run_scoped3A : memref<!tpu.dma_semaphore, #tpu.memory_space<semaphore_mem>>) src(%arg9 : memref<80x128xf32, #tpu.memory_space<vmem>>) dst(%dma_wait3A_107 : memref<80x128xf32, #tpu.memory_space<hbm>>)
        tpu.yield
      }) : () -> ()
      "tpu.region"() ({
        %run_scoped3A = tpu.sem_alloc : memref<!tpu.dma_semaphore, #tpu.memory_space<semaphore_mem>>
        %dma_start3A_100 = tpu.memref_slice %arg6[%mul3A_99] : memref<327680xf32, #tpu.memory_space<hbm>> -> memref<80xf32, #tpu.memory_space<hbm>>
        %dma_start3A_101 = tpu.memref_slice %arg6[%mul3A_99] : memref<327680xf32, #tpu.memory_space<hbm>> -> memref<80xf32, #tpu.memory_space<hbm>>
        tpu.enqueue_dma source(%arg10 : memref<80xf32, #tpu.memory_space<vmem>>) target(%dma_start3A_101 : memref<80xf32, #tpu.memory_space<hbm>>) target_semaphore(%run_scoped3A : memref<!tpu.dma_semaphore, #tpu.memory_space<semaphore_mem>>)
        %dma_wait3A_102 = tpu.memref_slice %arg6[%mul3A_99] : memref<327680xf32, #tpu.memory_space<hbm>> -> memref<80xf32, #tpu.memory_space<hbm>>
        %dma_wait3A_103 = tpu.memref_slice %arg6[%mul3A_99] : memref<327680xf32, #tpu.memory_space<hbm>> -> memref<80xf32, #tpu.memory_space<hbm>>
        tpu.wait_dma2 semaphore(%run_scoped3A : memref<!tpu.dma_semaphore, #tpu.memory_space<semaphore_mem>>) src(%arg10 : memref<80xf32, #tpu.memory_space<vmem>>) dst(%dma_wait3A_103 : memref<80xf32, #tpu.memory_space<hbm>>)
        tpu.yield
      }) : () -> ()
    }
    %scan3A_39 = arith.constant 125 : i32
    return
  }
}

module attributes {stable_mosaic.version = 14 : i64} {
  func.func @_norms_body(%arg0: i32, %arg1: memref<256x128xf32, #tpu.memory_space<vmem>>, %arg2: memref<256x1xf32, #tpu.memory_space<vmem>>) attributes {dimension_semantics = [#tpu.dimension_semantics<arbitrary>], iteration_bounds = array<i64: 40>, scalar_prefetch = 0 : i64, scratch_operands = 0 : i64, tpu.core_type = #tpu.core_type<tc>, window_params = [{transform_indices = @transform_0, window_bounds = array<i64: 256, 128>}, {transform_indices = @transform_1, window_bounds = array<i64: 256, 1>}]} {
    %get3A = arith.constant 0 : index
    %get3A_0 = arith.constant 0 : index
    %get3A_1 = vector.load %arg1[%get3A, %get3A_0] : memref<256x128xf32, #tpu.memory_space<vmem>>, vector<256x128xf32>
    %mul3A = arith.mulf %get3A_1, %get3A_1 : vector<256x128xf32>
    %reduce_sum3A = arith.constant dense<0.000000e+00> : vector<256xf32>
    %reduce_sum3A_2 = vector.multi_reduction <add>, %mul3A, %reduce_sum3A [1] : vector<256x128xf32> to vector<256xf32>
    %broadcast_in_dim3A = vector.shape_cast %reduce_sum3A_2 : vector<256xf32> to vector<256x1xf32>
    %sqrt3A = math.sqrt %broadcast_in_dim3A : vector<256x1xf32>
    %swap3A = arith.constant 0 : index
    %swap3A_3 = arith.constant 0 : index
    %swap3A_4 = vector.load %arg2[%swap3A, %swap3A_3] : memref<256x1xf32, #tpu.memory_space<vmem>>, vector<256x1xf32>
    tpu.vector_store %arg2[%swap3A, %swap3A_3], %sqrt3A {strides = array<i32>} : memref<256x1xf32, #tpu.memory_space<vmem>>, vector<256x1xf32>,
    return
  }
  func.func @transform_0(%arg0: i32) -> (i32, i32) {
    %c0_i32 = arith.constant 0 : i32
    %c0_i32_0 = arith.constant 0 : i32
    return %arg0, %c0_i32 : i32, i32
  }
  func.func @transform_1(%arg0: i32) -> (i32, i32) {
    %c0_i32 = arith.constant 0 : i32
    %c0_i32_0 = arith.constant 0 : i32
    return %arg0, %c0_i32 : i32, i32
  }
}

module attributes {stable_mosaic.version = 14 : i64} {
  func.func @_topk_body(%arg0: i32, %arg1: memref<256x128xf32, #tpu.memory_space<vmem>>, %arg2: memref<10240x128xf32, #tpu.memory_space<vmem>>, %arg3: memref<256x1xf32, #tpu.memory_space<vmem>>, %arg4: memref<1x10240xf32, #tpu.memory_space<vmem>>, %arg5: memref<256x16xi32, #tpu.memory_space<vmem>>, %arg6: memref<256x10240xf32, #tpu.memory_space<vmem>>) attributes {dimension_semantics = [#tpu.dimension_semantics<arbitrary>], iteration_bounds = array<i64: 40>, scalar_prefetch = 0 : i64, scratch_operands = 1 : i64, tpu.core_type = #tpu.core_type<tc>, window_params = [{transform_indices = @transform_0, window_bounds = array<i64: 256, 128>}, {pipeline_mode = #tpu.pipeline_mode<synchronous>, transform_indices = @transform_1, window_bounds = array<i64: 10240, 128>}, {transform_indices = @transform_2, window_bounds = array<i64: 256, 1>}, {pipeline_mode = #tpu.pipeline_mode<synchronous>, transform_indices = @transform_3, window_bounds = array<i64: 1, 10240>}, {transform_indices = @transform_4, window_bounds = array<i64: 256, 16>}]} {
    %get3A = arith.constant 0 : index
    %get3A_0 = arith.constant 0 : index
    %get3A_1 = vector.load %arg1[%get3A, %get3A_0] : memref<256x128xf32, #tpu.memory_space<vmem>>, vector<256x128xf32>
    %get3A_2 = arith.constant 0 : index
    %get3A_3 = arith.constant 0 : index
    %get3A_4 = vector.load %arg2[%get3A_2, %get3A_3] : memref<10240x128xf32, #tpu.memory_space<vmem>>, vector<10240x128xf32>
    %dot_general3A = arith.constant dense<0.000000e+00> : vector<256x10240xf32>
    %dot_general3A_5 = tpu.matmul %get3A_1, %get3A_4, %dot_general3A {dimension_numbers = #tpu.dot_dimension_numbers<[1], [1], [0], [0], [0, 0, 1, 0], [], []>, precision = #tpu.contract_precision<fp32>, transpose_lhs_hint = false} : vector<256x128xf32>, vector<10240x128xf32>, vector<256x10240xf32> -> vector<256x10240xf32>
    %get3A_6 = arith.constant 0 : index
    %get3A_7 = arith.constant 0 : index
    %get3A_8 = vector.load %arg3[%get3A_6, %get3A_7] : memref<256x1xf32, #tpu.memory_space<vmem>>, vector<256x1xf32>
    %get3A_9 = arith.constant 0 : index
    %get3A_10 = arith.constant 0 : index
    %get3A_11 = vector.load %arg4[%get3A_9, %get3A_10] : memref<1x10240xf32, #tpu.memory_space<vmem>>, vector<1x10240xf32>
    %mul3A = vector.broadcast %get3A_8 : vector<256x1xf32> to vector<256x10240xf32>
    %mul3A_12 = vector.broadcast %get3A_11 : vector<1x10240xf32> to vector<256x10240xf32>
    %mul3A_13 = arith.mulf %mul3A, %mul3A_12 : vector<256x10240xf32>
    %div3A = arith.divf %dot_general3A_5, %mul3A_13 : vector<256x10240xf32>
    %iota3A = tpu.iota {dimensions = array<i32: 1>} : vector<256x10240xi32>
    %lt3A = arith.constant 10000 : i32
    %lt3A_14 = vector.broadcast %lt3A : i32 to vector<256x10240xi32>
    %lt3A_15 = arith.cmpi slt, %iota3A, %lt3A_14 : vector<256x10240xi32>
    %jit3A = arith.constant 0xFF800000 : f32
    %broadcast_in_dim3A = vector.broadcast %jit3A : f32 to vector<256x10240xf32>
    %select_n3A = arith.select %lt3A_15, %div3A, %broadcast_in_dim3A : vector<256x10240xi1>, vector<256x10240xf32>
    %swap3A = arith.constant 0 : index
    %swap3A_16 = arith.constant 0 : index
    %swap3A_17 = vector.load %arg6[%swap3A, %swap3A_16] : memref<256x10240xf32, #tpu.memory_space<vmem>>, vector<256x10240xf32>
    tpu.vector_store %arg6[%swap3A, %swap3A_16], %select_n3A {strides = array<i32>} : memref<256x10240xf32, #tpu.memory_space<vmem>>, vector<256x10240xf32>,
    %iota3A_18 = tpu.iota {dimensions = array<i32: 1>} : vector<256x16xi32>
    %broadcast_in_dim3A_19 = arith.constant 0 : i32
    %broadcast_in_dim3A_20 = vector.broadcast %broadcast_in_dim3A_19 : i32 to vector<256x16xi32>
    %scan3A = arith.constant 10240 : i32
    %scan3A_21 = arith.constant 0 : i32
    %scan3A_22 = arith.constant 16 : i32
    %scan3A_23 = arith.addi %scan3A_21, %scan3A_22 : i32
    %scan3A_24 = arith.constant 1 : i32
    %scan3A_25 = scf.for %scan3A_30 = %scan3A_21 to %scan3A_23 step %scan3A_24 iter_args(%scan3A_31 = %broadcast_in_dim3A_20) -> (vector<256x16xi32>)  : i32 {
      %get3A_32 = arith.constant 0 : index
      %get3A_33 = arith.constant 0 : index
      %get3A_34 = vector.load %arg6[%get3A_32, %get3A_33] : memref<256x10240xf32, #tpu.memory_space<vmem>>, vector<256x10240xf32>
      %reduce_max3A = arith.constant dense<0xFF800000> : vector<256xf32>
      %reduce_max3A_35 = vector.multi_reduction <maximumf>, %get3A_34, %reduce_max3A [1] : vector<256x10240xf32> to vector<256xf32>
      %broadcast_in_dim3A_36 = vector.shape_cast %reduce_max3A_35 : vector<256xf32> to vector<256x1xf32>
      %eq3A = vector.broadcast %broadcast_in_dim3A_36 : vector<256x1xf32> to vector<256x10240xf32>
      %eq3A_37 = arith.cmpf oeq, %get3A_34, %eq3A : vector<256x10240xf32>
      %broadcast_in_dim3A_38 = vector.broadcast %scan3A : i32 to vector<256x10240xi32>
      %select_n3A_39 = arith.select %eq3A_37, %iota3A, %broadcast_in_dim3A_38 : vector<256x10240xi1>, vector<256x10240xi32>
      %reduce_min3A = arith.constant dense<2147483647> : vector<256xi32>
      %reduce_min3A_40 = vector.multi_reduction <minsi>, %select_n3A_39, %reduce_min3A [1] : vector<256x10240xi32> to vector<256xi32>
      %broadcast_in_dim3A_41 = vector.shape_cast %reduce_min3A_40 : vector<256xi32> to vector<256x1xi32>
      %eq3A_42 = vector.broadcast %broadcast_in_dim3A_41 : vector<256x1xi32> to vector<256x10240xi32>
      %eq3A_43 = arith.cmpi eq, %iota3A, %eq3A_42 : vector<256x10240xi32>
      %jit3A_44 = arith.constant 0xFF800000 : f32
      %broadcast_in_dim3A_45 = vector.broadcast %jit3A_44 : f32 to vector<256x10240xf32>
      %select_n3A_46 = arith.select %eq3A_43, %broadcast_in_dim3A_45, %get3A_34 : vector<256x10240xi1>, vector<256x10240xf32>
      %swap3A_47 = arith.constant 0 : index
      %swap3A_48 = arith.constant 0 : index
      %swap3A_49 = vector.load %arg6[%swap3A_47, %swap3A_48] : memref<256x10240xf32, #tpu.memory_space<vmem>>, vector<256x10240xf32>
      tpu.vector_store %arg6[%swap3A_47, %swap3A_48], %select_n3A_46 {strides = array<i32>} : memref<256x10240xf32, #tpu.memory_space<vmem>>, vector<256x10240xf32>,
      %eq3A_50 = vector.broadcast %scan3A_30 : i32 to vector<256x16xi32>
      %eq3A_51 = arith.cmpi eq, %iota3A_18, %eq3A_50 : vector<256x16xi32>
      %broadcast_in_dim3A_52 = vector.shape_cast %broadcast_in_dim3A_41 : vector<256x1xi32> to vector<256x1xi32>
      %broadcast_in_dim3A_53 = vector.broadcast %broadcast_in_dim3A_52 : vector<256x1xi32> to vector<256x16xi32>
      %select_n3A_54 = arith.select %eq3A_51, %broadcast_in_dim3A_53, %scan3A_31 : vector<256x16xi1>, vector<256x16xi32>
      scf.yield %select_n3A_54 : vector<256x16xi32>
    }
    %scan3A_26 = arith.constant 16 : i32
    %swap3A_27 = arith.constant 0 : index
    %swap3A_28 = arith.constant 0 : index
    %swap3A_29 = vector.load %arg5[%swap3A_27, %swap3A_28] : memref<256x16xi32, #tpu.memory_space<vmem>>, vector<256x16xi32>
    tpu.vector_store %arg5[%swap3A_27, %swap3A_28], %scan3A_25 {strides = array<i32>} : memref<256x16xi32, #tpu.memory_space<vmem>>, vector<256x16xi32>,
    return
  }
  func.func @transform_0(%arg0: i32) -> (i32, i32) {
    %c0_i32 = arith.constant 0 : i32
    %c0_i32_0 = arith.constant 0 : i32
    return %arg0, %c0_i32 : i32, i32
  }
  func.func @transform_1(%arg0: i32) -> (i32, i32) {
    %c0_i32 = arith.constant 0 : i32
    %c0_i32_0 = arith.constant 0 : i32
    %c0_i32_1 = arith.constant 0 : i32
    return %c0_i32, %c0_i32_0 : i32, i32
  }
  func.func @transform_2(%arg0: i32) -> (i32, i32) {
    %c0_i32 = arith.constant 0 : i32
    %c0_i32_0 = arith.constant 0 : i32
    return %arg0, %c0_i32 : i32, i32
  }
  func.func @transform_3(%arg0: i32) -> (i32, i32) {
    %c0_i32 = arith.constant 0 : i32
    %c0_i32_0 = arith.constant 0 : i32
    %c0_i32_1 = arith.constant 0 : i32
    return %c0_i32, %c0_i32_0 : i32, i32
  }
  func.func @transform_4(%arg0: i32) -> (i32, i32) {
    %c0_i32 = arith.constant 0 : i32
    %c0_i32_0 = arith.constant 0 : i32
    return %arg0, %c0_i32 : i32, i32
  }
}

module attributes {stable_mosaic.version = 14 : i64} {
  func.func @_prep_body(%arg0: i32, %arg1: memref<256x128xf32, #tpu.memory_space<vmem>>, %arg2: memref<256x128xf32, #tpu.memory_space<vmem>>, %arg3: memref<128x128xf32, #tpu.memory_space<vmem>>, %arg4: memref<16x128xf32, #tpu.memory_space<vmem>>, %arg5: memref<256x128xf32, #tpu.memory_space<vmem>>, %arg6: memref<256x1xf32, #tpu.memory_space<vmem>>, %arg7: memref<256x1xf32, #tpu.memory_space<vmem>>) attributes {dimension_semantics = [#tpu.dimension_semantics<arbitrary>], iteration_bounds = array<i64: 80>, scalar_prefetch = 0 : i64, scratch_operands = 0 : i64, tpu.core_type = #tpu.core_type<tc>, window_params = [{transform_indices = @transform_0, window_bounds = array<i64: 256, 128>}, {transform_indices = @transform_1, window_bounds = array<i64: 256, 128>}, {pipeline_mode = #tpu.pipeline_mode<synchronous>, transform_indices = @transform_2, window_bounds = array<i64: 128, 128>}, {pipeline_mode = #tpu.pipeline_mode<synchronous>, transform_indices = @transform_3, window_bounds = array<i64: 16, 128>}, {transform_indices = @transform_4, window_bounds = array<i64: 256, 128>}, {transform_indices = @transform_5, window_bounds = array<i64: 256, 1>}, {transform_indices = @transform_6, window_bounds = array<i64: 256, 1>}]} {
    %get3A = arith.constant 0 : index
    %get3A_0 = arith.constant 0 : index
    %get3A_1 = vector.load %arg1[%get3A, %get3A_0] : memref<256x128xf32, #tpu.memory_space<vmem>>, vector<256x128xf32>
    %get3A_2 = arith.constant 0 : index
    %get3A_3 = arith.constant 0 : index
    %get3A_4 = vector.load %arg2[%get3A_2, %get3A_3] : memref<256x128xf32, #tpu.memory_space<vmem>>, vector<256x128xf32>
    %get3A_5 = arith.constant 0 : index
    %get3A_6 = arith.constant 0 : index
    %get3A_7 = vector.load %arg3[%get3A_5, %get3A_6] : memref<128x128xf32, #tpu.memory_space<vmem>>, vector<128x128xf32>
    %dot_general3A = arith.constant dense<0.000000e+00> : vector<256x128xf32>
    %dot_general3A_8 = tpu.matmul %get3A_1, %get3A_7, %dot_general3A {dimension_numbers = #tpu.dot_dimension_numbers<[1], [1], [0], [0], [0, 0, 1, 0], [], []>, precision = #tpu.contract_precision<fp32>, transpose_lhs_hint = false} : vector<256x128xf32>, vector<128x128xf32>, vector<256x128xf32> -> vector<256x128xf32>
    %swap3A = arith.constant 0 : index
    %swap3A_9 = arith.constant 0 : index
    %swap3A_10 = vector.load %arg5[%swap3A, %swap3A_9] : memref<256x128xf32, #tpu.memory_space<vmem>>, vector<256x128xf32>
    tpu.vector_store %arg5[%swap3A, %swap3A_9], %dot_general3A_8 {strides = array<i32>} : memref<256x128xf32, #tpu.memory_space<vmem>>, vector<256x128xf32>,
    %get3A_11 = arith.constant 0 : index
    %get3A_12 = arith.constant 0 : index
    %get3A_13 = vector.load %arg4[%get3A_11, %get3A_12] : memref<16x128xf32, #tpu.memory_space<vmem>>, vector<1x128xf32>
    %get3A_14 = arith.constant 1 : index
    %get3A_15 = arith.constant 0 : index
    %get3A_16 = vector.load %arg4[%get3A_14, %get3A_15] : memref<16x128xf32, #tpu.memory_space<vmem>>, vector<1x128xf32>
    %get3A_17 = arith.constant 2 : index
    %get3A_18 = arith.constant 0 : index
    %get3A_19 = vector.load %arg4[%get3A_17, %get3A_18] : memref<16x128xf32, #tpu.memory_space<vmem>>, vector<1x128xf32>
    %get3A_20 = arith.constant 3 : index
    %get3A_21 = arith.constant 0 : index
    %get3A_22 = vector.load %arg4[%get3A_20, %get3A_21] : memref<16x128xf32, #tpu.memory_space<vmem>>, vector<1x128xf32>
    %mul3A = vector.broadcast %get3A_13 : vector<1x128xf32> to vector<256x128xf32>
    %mul3A_23 = arith.mulf %dot_general3A_8, %mul3A : vector<256x128xf32>
    %reduce_sum3A = arith.constant dense<0.000000e+00> : vector<256xf32>
    %reduce_sum3A_24 = vector.multi_reduction <add>, %mul3A_23, %reduce_sum3A [1] : vector<256x128xf32> to vector<256xf32>
    %broadcast_in_dim3A = vector.shape_cast %reduce_sum3A_24 : vector<256xf32> to vector<256x1xf32>
    %mul3A_25 = vector.broadcast %get3A_16 : vector<1x128xf32> to vector<256x128xf32>
    %mul3A_26 = arith.mulf %get3A_4, %mul3A_25 : vector<256x128xf32>
    %reduce_sum3A_27 = arith.constant dense<0.000000e+00> : vector<256xf32>
    %reduce_sum3A_28 = vector.multi_reduction <add>, %mul3A_26, %reduce_sum3A_27 [1] : vector<256x128xf32> to vector<256xf32>
    %broadcast_in_dim3A_29 = vector.shape_cast %reduce_sum3A_28 : vector<256xf32> to vector<256x1xf32>
    %add3A = arith.addf %broadcast_in_dim3A, %broadcast_in_dim3A_29 : vector<256x1xf32>
    %swap3A_30 = arith.constant 0 : index
    %swap3A_31 = arith.constant 0 : index
    %swap3A_32 = vector.load %arg6[%swap3A_30, %swap3A_31] : memref<256x1xf32, #tpu.memory_space<vmem>>, vector<256x1xf32>
    tpu.vector_store %arg6[%swap3A_30, %swap3A_31], %add3A {strides = array<i32>} : memref<256x1xf32, #tpu.memory_space<vmem>>, vector<256x1xf32>,
    %mul3A_33 = vector.broadcast %get3A_19 : vector<1x128xf32> to vector<256x128xf32>
    %mul3A_34 = arith.mulf %dot_general3A_8, %mul3A_33 : vector<256x128xf32>
    %reduce_sum3A_35 = arith.constant dense<0.000000e+00> : vector<256xf32>
    %reduce_sum3A_36 = vector.multi_reduction <add>, %mul3A_34, %reduce_sum3A_35 [1] : vector<256x128xf32> to vector<256xf32>
    %broadcast_in_dim3A_37 = vector.shape_cast %reduce_sum3A_36 : vector<256xf32> to vector<256x1xf32>
    %mul3A_38 = vector.broadcast %get3A_22 : vector<1x128xf32> to vector<256x128xf32>
    %mul3A_39 = arith.mulf %get3A_4, %mul3A_38 : vector<256x128xf32>
    %reduce_sum3A_40 = arith.constant dense<0.000000e+00> : vector<256xf32>
    %reduce_sum3A_41 = vector.multi_reduction <add>, %mul3A_39, %reduce_sum3A_40 [1] : vector<256x128xf32> to vector<256xf32>
    %broadcast_in_dim3A_42 = vector.shape_cast %reduce_sum3A_41 : vector<256xf32> to vector<256x1xf32>
    %add3A_43 = arith.addf %broadcast_in_dim3A_37, %broadcast_in_dim3A_42 : vector<256x1xf32>
    %swap3A_44 = arith.constant 0 : index
    %swap3A_45 = arith.constant 0 : index
    %swap3A_46 = vector.load %arg7[%swap3A_44, %swap3A_45] : memref<256x1xf32, #tpu.memory_space<vmem>>, vector<256x1xf32>
    tpu.vector_store %arg7[%swap3A_44, %swap3A_45], %add3A_43 {strides = array<i32>} : memref<256x1xf32, #tpu.memory_space<vmem>>, vector<256x1xf32>,
    return
  }
  func.func @transform_0(%arg0: i32) -> (i32, i32) {
    %c0_i32 = arith.constant 0 : i32
    %c0_i32_0 = arith.constant 0 : i32
    return %arg0, %c0_i32 : i32, i32
  }
  func.func @transform_1(%arg0: i32) -> (i32, i32) {
    %jit3A = arith.constant 40 : i32
    %eq3A = arith.constant 0 : i32
    %eq3A_0 = arith.cmpi eq, %jit3A, %eq3A : i32
    %jit3A_1 = arith.constant 1 : i32
    %select_n3A = arith.select %eq3A_0, %jit3A_1, %jit3A : i32
    %rem3A = arith.remsi %arg0, %select_n3A : i32
    %ne3A = arith.constant 0 : i32
    %ne3A_2 = arith.cmpi ne, %rem3A, %ne3A : i32
    %lt3A = arith.constant 0 : i32
    %lt3A_3 = arith.cmpi slt, %rem3A, %lt3A : i32
    %lt3A_4 = arith.constant 0 : i32
    %lt3A_5 = arith.cmpi slt, %select_n3A, %lt3A_4 : i32
    %ne3A_6 = arith.xori %lt3A_3, %lt3A_5 : i1
    %and3A = arith.andi %ne3A_6, %ne3A_2 : i1
    %add3A = arith.addi %rem3A, %select_n3A : i32
    %select_n3A_7 = arith.select %and3A, %add3A, %rem3A : i32
    %c0_i32 = arith.constant 0 : i32
    %c0_i32_8 = arith.constant 0 : i32
    return %select_n3A_7, %c0_i32 : i32, i32
  }
  func.func @transform_2(%arg0: i32) -> (i32, i32) {
    %c0_i32 = arith.constant 0 : i32
    %c0_i32_0 = arith.constant 0 : i32
    %c0_i32_1 = arith.constant 0 : i32
    return %c0_i32, %c0_i32_0 : i32, i32
  }
  func.func @transform_3(%arg0: i32) -> (i32, i32) {
    %c0_i32 = arith.constant 0 : i32
    %c0_i32_0 = arith.constant 0 : i32
    %c0_i32_1 = arith.constant 0 : i32
    return %c0_i32, %c0_i32_0 : i32, i32
  }
  func.func @transform_4(%arg0: i32) -> (i32, i32) {
    %c0_i32 = arith.constant 0 : i32
    %c0_i32_0 = arith.constant 0 : i32
    return %arg0, %c0_i32 : i32, i32
  }
  func.func @transform_5(%arg0: i32) -> (i32, i32) {
    %c0_i32 = arith.constant 0 : i32
    %c0_i32_0 = arith.constant 0 : i32
    return %arg0, %c0_i32 : i32, i32
  }
  func.func @transform_6(%arg0: i32) -> (i32, i32) {
    %c0_i32 = arith.constant 0 : i32
    %c0_i32_0 = arith.constant 0 : i32
    return %arg0, %c0_i32 : i32, i32
  }
}

module attributes {stable_mosaic.version = 14 : i64} {
  func.func @_agg_body(%arg0: i32, %arg1: memref<256x128xf32, #tpu.memory_space<vmem>>, %arg2: memref<256x1xf32, #tpu.memory_space<vmem>>, %arg3: memref<256x1xf32, #tpu.memory_space<vmem>>, %arg4: memref<256x128xf32, #tpu.memory_space<vmem>>, %arg5: memref<256x128xi32, #tpu.memory_space<vmem>>, %arg6: memref<4096x128xf32, #tpu.memory_space<vmem>>, %arg7: memref<256x128xf32, #tpu.memory_space<vmem>>, %arg8: memref<16x128xf32, #tpu.memory_space<vmem>>, %arg9: memref<256x1xf32, #tpu.memory_space<vmem>>, %arg10: memref<256x1xf32, #tpu.memory_space<vmem>>) attributes {dimension_semantics = [#tpu.dimension_semantics<arbitrary>], iteration_bounds = array<i64: 80>, scalar_prefetch = 0 : i64, scratch_operands = 0 : i64, tpu.core_type = #tpu.core_type<tc>, window_params = [{transform_indices = @transform_0, window_bounds = array<i64: 256, 128>}, {transform_indices = @transform_1, window_bounds = array<i64: 256, 1>}, {transform_indices = @transform_2, window_bounds = array<i64: 256, 1>}, {transform_indices = @transform_3, window_bounds = array<i64: 256, 128>}, {transform_indices = @transform_4, window_bounds = array<i64: 256, 128>}, {transform_indices = @transform_5, window_bounds = array<i64: 4096, 128>}, {transform_indices = @transform_6, window_bounds = array<i64: 256, 128>}, {pipeline_mode = #tpu.pipeline_mode<synchronous>, transform_indices = @transform_7, window_bounds = array<i64: 16, 128>}, {transform_indices = @transform_8, window_bounds = array<i64: 256, 1>}, {transform_indices = @transform_9, window_bounds = array<i64: 256, 1>}]} {
    %rem3A = arith.constant 40 : i32
    %rem3A_0 = arith.remsi %arg0, %rem3A : i32
    %get3A = arith.constant 0 : index
    %get3A_1 = arith.constant 0 : index
    %get3A_2 = vector.load %arg2[%get3A, %get3A_1] : memref<256x1xf32, #tpu.memory_space<vmem>>, vector<256x1xf32>
    %iota3A = tpu.iota {dimensions = array<i32: 1>} : vector<256x128xi32>
    %get3A_3 = arith.constant 0 : index
    %get3A_4 = arith.constant 0 : index
    %get3A_5 = vector.load %arg7[%get3A_3, %get3A_4] : memref<256x128xf32, #tpu.memory_space<vmem>>, vector<256x128xf32>
    %add3A = vector.broadcast %get3A_2 : vector<256x1xf32> to vector<256x128xf32>
    %add3A_6 = arith.addf %add3A, %get3A_5 : vector<256x128xf32>
    %ge3A = arith.constant 0.000000e+00 : f32
    %ge3A_7 = vector.broadcast %ge3A : f32 to vector<256x128xf32>
    %ge3A_8 = arith.cmpf oge, %add3A_6, %ge3A_7 : vector<256x128xf32>
    %mul3A = arith.constant 2.000000e-01 : f32
    %mul3A_9 = vector.broadcast %mul3A : f32 to vector<256x128xf32>
    %mul3A_10 = arith.mulf %mul3A_9, %add3A_6 : vector<256x128xf32>
    %select_n3A = arith.select %ge3A_8, %add3A_6, %mul3A_10 : vector<256x128xi1>, vector<256x128xf32>
    %mul3A_11 = arith.constant 256 : i32
    %mul3A_12 = arith.muli %rem3A_0, %mul3A_11 : i32
    %iota3A_13 = tpu.iota {dimensions = array<i32: 0>} : vector<256x128xi32>
    %add3A_14 = vector.broadcast %mul3A_12 : i32 to vector<256x128xi32>
    %add3A_15 = arith.addi %add3A_14, %iota3A_13 : vector<256x128xi32>
    %lt3A = arith.constant 16 : i32
    %lt3A_16 = vector.broadcast %lt3A : i32 to vector<256x128xi32>
    %lt3A_17 = arith.cmpi slt, %iota3A, %lt3A_16 : vector<256x128xi32>
    %get3A_18 = arith.constant 0 : index
    %get3A_19 = arith.constant 0 : index
    %get3A_20 = vector.load %arg5[%get3A_18, %get3A_19] : memref<256x128xi32, #tpu.memory_space<vmem>>, vector<256x128xi32>
    %ne3A = arith.cmpi ne, %get3A_20, %add3A_15 : vector<256x128xi32>
    %and3A = arith.andi %lt3A_17, %ne3A : vector<256x128xi1>
    %jit3A = arith.constant 0xFF800000 : f32
    %broadcast_in_dim3A = vector.broadcast %jit3A : f32 to vector<256x128xf32>
    %select_n3A_21 = arith.select %and3A, %select_n3A, %broadcast_in_dim3A : vector<256x128xi1>, vector<256x128xf32>
    %get3A_22 = arith.constant 0 : index
    %get3A_23 = arith.constant 0 : index
    %get3A_24 = vector.load %arg3[%get3A_22, %get3A_23] : memref<256x1xf32, #tpu.memory_space<vmem>>, vector<256x1xf32>
    %add3A_25 = arith.addf %get3A_2, %get3A_24 : vector<256x1xf32>
    %ge3A_26 = arith.constant 0.000000e+00 : f32
    %ge3A_27 = vector.broadcast %ge3A_26 : f32 to vector<256x1xf32>
    %ge3A_28 = arith.cmpf oge, %add3A_25, %ge3A_27 : vector<256x1xf32>
    %mul3A_29 = arith.constant 2.000000e-01 : f32
    %mul3A_30 = vector.broadcast %mul3A_29 : f32 to vector<256x1xf32>
    %mul3A_31 = arith.mulf %mul3A_30, %add3A_25 : vector<256x1xf32>
    %select_n3A_32 = arith.select %ge3A_28, %add3A_25, %mul3A_31 : vector<256x1xi1>, vector<256x1xf32>
    %reduce_max3A = arith.constant dense<0xFF800000> : vector<256xf32>
    %reduce_max3A_33 = vector.multi_reduction <maximumf>, %select_n3A_21, %reduce_max3A [1] : vector<256x128xf32> to vector<256xf32>
    %broadcast_in_dim3A_34 = vector.shape_cast %reduce_max3A_33 : vector<256xf32> to vector<256x1xf32>
    %max3A = arith.maximumf %broadcast_in_dim3A_34, %select_n3A_32 : vector<256x1xf32>
    %sub3A = vector.broadcast %max3A : vector<256x1xf32> to vector<256x128xf32>
    %sub3A_35 = arith.subf %select_n3A_21, %sub3A : vector<256x128xf32>
    %exp3A = math.exp %sub3A_35 : vector<256x128xf32>
    %sub3A_36 = arith.subf %select_n3A_32, %max3A : vector<256x1xf32>
    %exp3A_37 = math.exp %sub3A_36 : vector<256x1xf32>
    %reduce_sum3A = arith.constant dense<0.000000e+00> : vector<256xf32>
    %reduce_sum3A_38 = vector.multi_reduction <add>, %exp3A, %reduce_sum3A [1] : vector<256x128xf32> to vector<256xf32>
    %broadcast_in_dim3A_39 = vector.shape_cast %reduce_sum3A_38 : vector<256xf32> to vector<256x1xf32>
    %add3A_40 = arith.addf %broadcast_in_dim3A_39, %exp3A_37 : vector<256x1xf32>
    %add3A_41 = arith.constant 1.000000e-16 : f32
    %add3A_42 = vector.broadcast %add3A_41 : f32 to vector<256x1xf32>
    %add3A_43 = arith.addf %add3A_40, %add3A_42 : vector<256x1xf32>
    %div3A = vector.broadcast %add3A_43 : vector<256x1xf32> to vector<256x128xf32>
    %div3A_44 = arith.divf %exp3A, %div3A : vector<256x128xf32>
    %get3A_45 = arith.constant 0 : index
    %get3A_46 = arith.constant 0 : index
    %get3A_47 = vector.load %arg6[%get3A_45, %get3A_46] : memref<4096x128xf32, #tpu.memory_space<vmem>>, vector<4096x128xf32>
    %reshape3A = vector.shape_cast %get3A_47 : vector<4096x128xf32> to vector<256x16x128xf32>
    %div3A_48 = arith.divf %exp3A_37, %add3A_43 : vector<256x1xf32>
    %get3A_49 = arith.constant 0 : index
    %get3A_50 = arith.constant 0 : index
    %get3A_51 = vector.load %arg1[%get3A_49, %get3A_50] : memref<256x128xf32, #tpu.memory_space<vmem>>, vector<256x128xf32>
    %mul3A_52 = vector.broadcast %div3A_48 : vector<256x1xf32> to vector<256x128xf32>
    %mul3A_53 = arith.mulf %mul3A_52, %get3A_51 : vector<256x128xf32>
    %eq3A = arith.constant 0 : i32
    %eq3A_54 = vector.broadcast %eq3A : i32 to vector<256x128xi32>
    %eq3A_55 = arith.cmpi eq, %iota3A, %eq3A_54 : vector<256x128xi32>
    %jit3A_56 = arith.constant 0.000000e+00 : f32
    %broadcast_in_dim3A_57 = vector.broadcast %jit3A_56 : f32 to vector<256x128xf32>
    %select_n3A_58 = arith.select %eq3A_55, %div3A_44, %broadcast_in_dim3A_57 : vector<256x128xi1>, vector<256x128xf32>
    %reduce_sum3A_59 = arith.constant dense<0.000000e+00> : vector<256xf32>
    %reduce_sum3A_60 = vector.multi_reduction <add>, %select_n3A_58, %reduce_sum3A_59 [1] : vector<256x128xf32> to vector<256xf32>
    %broadcast_in_dim3A_61 = vector.shape_cast %reduce_sum3A_60 : vector<256xf32> to vector<256x1xf32>
    %slice3A = vector.extract_strided_slice %reshape3A {offsets = [0, 0, 0], sizes = [256, 1, 128], strides = [1, 1, 1]} : vector<256x16x128xf32> to vector<256x1x128xf32>
    %squeeze3A = vector.shape_cast %slice3A : vector<256x1x128xf32> to vector<256x128xf32>
    %mul3A_62 = vector.broadcast %broadcast_in_dim3A_61 : vector<256x1xf32> to vector<256x128xf32>
    %mul3A_63 = arith.mulf %mul3A_62, %squeeze3A : vector<256x128xf32>
    %add3A_64 = arith.addf %mul3A_53, %mul3A_63 : vector<256x128xf32>
    %eq3A_65 = arith.constant 1 : i32
    %eq3A_66 = vector.broadcast %eq3A_65 : i32 to vector<256x128xi32>
    %eq3A_67 = arith.cmpi eq, %iota3A, %eq3A_66 : vector<256x128xi32>
    %jit3A_68 = arith.constant 0.000000e+00 : f32
    %broadcast_in_dim3A_69 = vector.broadcast %jit3A_68 : f32 to vector<256x128xf32>
    %select_n3A_70 = arith.select %eq3A_67, %div3A_44, %broadcast_in_dim3A_69 : vector<256x128xi1>, vector<256x128xf32>
    %reduce_sum3A_71 = arith.constant dense<0.000000e+00> : vector<256xf32>
    %reduce_sum3A_72 = vector.multi_reduction <add>, %select_n3A_70, %reduce_sum3A_71 [1] : vector<256x128xf32> to vector<256xf32>
    %broadcast_in_dim3A_73 = vector.shape_cast %reduce_sum3A_72 : vector<256xf32> to vector<256x1xf32>
    %slice3A_74 = vector.extract_strided_slice %reshape3A {offsets = [0, 1, 0], sizes = [256, 1, 128], strides = [1, 1, 1]} : vector<256x16x128xf32> to vector<256x1x128xf32>
    %squeeze3A_75 = vector.shape_cast %slice3A_74 : vector<256x1x128xf32> to vector<256x128xf32>
    %mul3A_76 = vector.broadcast %broadcast_in_dim3A_73 : vector<256x1xf32> to vector<256x128xf32>
    %mul3A_77 = arith.mulf %mul3A_76, %squeeze3A_75 : vector<256x128xf32>
    %add3A_78 = arith.addf %add3A_64, %mul3A_77 : vector<256x128xf32>
    %eq3A_79 = arith.constant 2 : i32
    %eq3A_80 = vector.broadcast %eq3A_79 : i32 to vector<256x128xi32>
    %eq3A_81 = arith.cmpi eq, %iota3A, %eq3A_80 : vector<256x128xi32>
    %jit3A_82 = arith.constant 0.000000e+00 : f32
    %broadcast_in_dim3A_83 = vector.broadcast %jit3A_82 : f32 to vector<256x128xf32>
    %select_n3A_84 = arith.select %eq3A_81, %div3A_44, %broadcast_in_dim3A_83 : vector<256x128xi1>, vector<256x128xf32>
    %reduce_sum3A_85 = arith.constant dense<0.000000e+00> : vector<256xf32>
    %reduce_sum3A_86 = vector.multi_reduction <add>, %select_n3A_84, %reduce_sum3A_85 [1] : vector<256x128xf32> to vector<256xf32>
    %broadcast_in_dim3A_87 = vector.shape_cast %reduce_sum3A_86 : vector<256xf32> to vector<256x1xf32>
    %slice3A_88 = vector.extract_strided_slice %reshape3A {offsets = [0, 2, 0], sizes = [256, 1, 128], strides = [1, 1, 1]} : vector<256x16x128xf32> to vector<256x1x128xf32>
    %squeeze3A_89 = vector.shape_cast %slice3A_88 : vector<256x1x128xf32> to vector<256x128xf32>
    %mul3A_90 = vector.broadcast %broadcast_in_dim3A_87 : vector<256x1xf32> to vector<256x128xf32>
    %mul3A_91 = arith.mulf %mul3A_90, %squeeze3A_89 : vector<256x128xf32>
    %add3A_92 = arith.addf %add3A_78, %mul3A_91 : vector<256x128xf32>
    %eq3A_93 = arith.constant 3 : i32
    %eq3A_94 = vector.broadcast %eq3A_93 : i32 to vector<256x128xi32>
    %eq3A_95 = arith.cmpi eq, %iota3A, %eq3A_94 : vector<256x128xi32>
    %jit3A_96 = arith.constant 0.000000e+00 : f32
    %broadcast_in_dim3A_97 = vector.broadcast %jit3A_96 : f32 to vector<256x128xf32>
    %select_n3A_98 = arith.select %eq3A_95, %div3A_44, %broadcast_in_dim3A_97 : vector<256x128xi1>, vector<256x128xf32>
    %reduce_sum3A_99 = arith.constant dense<0.000000e+00> : vector<256xf32>
    %reduce_sum3A_100 = vector.multi_reduction <add>, %select_n3A_98, %reduce_sum3A_99 [1] : vector<256x128xf32> to vector<256xf32>
    %broadcast_in_dim3A_101 = vector.shape_cast %reduce_sum3A_100 : vector<256xf32> to vector<256x1xf32>
    %slice3A_102 = vector.extract_strided_slice %reshape3A {offsets = [0, 3, 0], sizes = [256, 1, 128], strides = [1, 1, 1]} : vector<256x16x128xf32> to vector<256x1x128xf32>
    %squeeze3A_103 = vector.shape_cast %slice3A_102 : vector<256x1x128xf32> to vector<256x128xf32>
    %mul3A_104 = vector.broadcast %broadcast_in_dim3A_101 : vector<256x1xf32> to vector<256x128xf32>
    %mul3A_105 = arith.mulf %mul3A_104, %squeeze3A_103 : vector<256x128xf32>
    %add3A_106 = arith.addf %add3A_92, %mul3A_105 : vector<256x128xf32>
    %eq3A_107 = arith.constant 4 : i32
    %eq3A_108 = vector.broadcast %eq3A_107 : i32 to vector<256x128xi32>
    %eq3A_109 = arith.cmpi eq, %iota3A, %eq3A_108 : vector<256x128xi32>
    %jit3A_110 = arith.constant 0.000000e+00 : f32
    %broadcast_in_dim3A_111 = vector.broadcast %jit3A_110 : f32 to vector<256x128xf32>
    %select_n3A_112 = arith.select %eq3A_109, %div3A_44, %broadcast_in_dim3A_111 : vector<256x128xi1>, vector<256x128xf32>
    %reduce_sum3A_113 = arith.constant dense<0.000000e+00> : vector<256xf32>
    %reduce_sum3A_114 = vector.multi_reduction <add>, %select_n3A_112, %reduce_sum3A_113 [1] : vector<256x128xf32> to vector<256xf32>
    %broadcast_in_dim3A_115 = vector.shape_cast %reduce_sum3A_114 : vector<256xf32> to vector<256x1xf32>
    %slice3A_116 = vector.extract_strided_slice %reshape3A {offsets = [0, 4, 0], sizes = [256, 1, 128], strides = [1, 1, 1]} : vector<256x16x128xf32> to vector<256x1x128xf32>
    %squeeze3A_117 = vector.shape_cast %slice3A_116 : vector<256x1x128xf32> to vector<256x128xf32>
    %mul3A_118 = vector.broadcast %broadcast_in_dim3A_115 : vector<256x1xf32> to vector<256x128xf32>
    %mul3A_119 = arith.mulf %mul3A_118, %squeeze3A_117 : vector<256x128xf32>
    %add3A_120 = arith.addf %add3A_106, %mul3A_119 : vector<256x128xf32>
    %eq3A_121 = arith.constant 5 : i32
    %eq3A_122 = vector.broadcast %eq3A_121 : i32 to vector<256x128xi32>
    %eq3A_123 = arith.cmpi eq, %iota3A, %eq3A_122 : vector<256x128xi32>
    %jit3A_124 = arith.constant 0.000000e+00 : f32
    %broadcast_in_dim3A_125 = vector.broadcast %jit3A_124 : f32 to vector<256x128xf32>
    %select_n3A_126 = arith.select %eq3A_123, %div3A_44, %broadcast_in_dim3A_125 : vector<256x128xi1>, vector<256x128xf32>
    %reduce_sum3A_127 = arith.constant dense<0.000000e+00> : vector<256xf32>
    %reduce_sum3A_128 = vector.multi_reduction <add>, %select_n3A_126, %reduce_sum3A_127 [1] : vector<256x128xf32> to vector<256xf32>
    %broadcast_in_dim3A_129 = vector.shape_cast %reduce_sum3A_128 : vector<256xf32> to vector<256x1xf32>
    %slice3A_130 = vector.extract_strided_slice %reshape3A {offsets = [0, 5, 0], sizes = [256, 1, 128], strides = [1, 1, 1]} : vector<256x16x128xf32> to vector<256x1x128xf32>
    %squeeze3A_131 = vector.shape_cast %slice3A_130 : vector<256x1x128xf32> to vector<256x128xf32>
    %mul3A_132 = vector.broadcast %broadcast_in_dim3A_129 : vector<256x1xf32> to vector<256x128xf32>
    %mul3A_133 = arith.mulf %mul3A_132, %squeeze3A_131 : vector<256x128xf32>
    %add3A_134 = arith.addf %add3A_120, %mul3A_133 : vector<256x128xf32>
    %eq3A_135 = arith.constant 6 : i32
    %eq3A_136 = vector.broadcast %eq3A_135 : i32 to vector<256x128xi32>
    %eq3A_137 = arith.cmpi eq, %iota3A, %eq3A_136 : vector<256x128xi32>
    %jit3A_138 = arith.constant 0.000000e+00 : f32
    %broadcast_in_dim3A_139 = vector.broadcast %jit3A_138 : f32 to vector<256x128xf32>
    %select_n3A_140 = arith.select %eq3A_137, %div3A_44, %broadcast_in_dim3A_139 : vector<256x128xi1>, vector<256x128xf32>
    %reduce_sum3A_141 = arith.constant dense<0.000000e+00> : vector<256xf32>
    %reduce_sum3A_142 = vector.multi_reduction <add>, %select_n3A_140, %reduce_sum3A_141 [1] : vector<256x128xf32> to vector<256xf32>
    %broadcast_in_dim3A_143 = vector.shape_cast %reduce_sum3A_142 : vector<256xf32> to vector<256x1xf32>
    %slice3A_144 = vector.extract_strided_slice %reshape3A {offsets = [0, 6, 0], sizes = [256, 1, 128], strides = [1, 1, 1]} : vector<256x16x128xf32> to vector<256x1x128xf32>
    %squeeze3A_145 = vector.shape_cast %slice3A_144 : vector<256x1x128xf32> to vector<256x128xf32>
    %mul3A_146 = vector.broadcast %broadcast_in_dim3A_143 : vector<256x1xf32> to vector<256x128xf32>
    %mul3A_147 = arith.mulf %mul3A_146, %squeeze3A_145 : vector<256x128xf32>
    %add3A_148 = arith.addf %add3A_134, %mul3A_147 : vector<256x128xf32>
    %eq3A_149 = arith.constant 7 : i32
    %eq3A_150 = vector.broadcast %eq3A_149 : i32 to vector<256x128xi32>
    %eq3A_151 = arith.cmpi eq, %iota3A, %eq3A_150 : vector<256x128xi32>
    %jit3A_152 = arith.constant 0.000000e+00 : f32
    %broadcast_in_dim3A_153 = vector.broadcast %jit3A_152 : f32 to vector<256x128xf32>
    %select_n3A_154 = arith.select %eq3A_151, %div3A_44, %broadcast_in_dim3A_153 : vector<256x128xi1>, vector<256x128xf32>
    %reduce_sum3A_155 = arith.constant dense<0.000000e+00> : vector<256xf32>
    %reduce_sum3A_156 = vector.multi_reduction <add>, %select_n3A_154, %reduce_sum3A_155 [1] : vector<256x128xf32> to vector<256xf32>
    %broadcast_in_dim3A_157 = vector.shape_cast %reduce_sum3A_156 : vector<256xf32> to vector<256x1xf32>
    %slice3A_158 = vector.extract_strided_slice %reshape3A {offsets = [0, 7, 0], sizes = [256, 1, 128], strides = [1, 1, 1]} : vector<256x16x128xf32> to vector<256x1x128xf32>
    %squeeze3A_159 = vector.shape_cast %slice3A_158 : vector<256x1x128xf32> to vector<256x128xf32>
    %mul3A_160 = vector.broadcast %broadcast_in_dim3A_157 : vector<256x1xf32> to vector<256x128xf32>
    %mul3A_161 = arith.mulf %mul3A_160, %squeeze3A_159 : vector<256x128xf32>
    %add3A_162 = arith.addf %add3A_148, %mul3A_161 : vector<256x128xf32>
    %eq3A_163 = arith.constant 8 : i32
    %eq3A_164 = vector.broadcast %eq3A_163 : i32 to vector<256x128xi32>
    %eq3A_165 = arith.cmpi eq, %iota3A, %eq3A_164 : vector<256x128xi32>
    %jit3A_166 = arith.constant 0.000000e+00 : f32
    %broadcast_in_dim3A_167 = vector.broadcast %jit3A_166 : f32 to vector<256x128xf32>
    %select_n3A_168 = arith.select %eq3A_165, %div3A_44, %broadcast_in_dim3A_167 : vector<256x128xi1>, vector<256x128xf32>
    %reduce_sum3A_169 = arith.constant dense<0.000000e+00> : vector<256xf32>
    %reduce_sum3A_170 = vector.multi_reduction <add>, %select_n3A_168, %reduce_sum3A_169 [1] : vector<256x128xf32> to vector<256xf32>
    %broadcast_in_dim3A_171 = vector.shape_cast %reduce_sum3A_170 : vector<256xf32> to vector<256x1xf32>
    %slice3A_172 = vector.extract_strided_slice %reshape3A {offsets = [0, 8, 0], sizes = [256, 1, 128], strides = [1, 1, 1]} : vector<256x16x128xf32> to vector<256x1x128xf32>
    %squeeze3A_173 = vector.shape_cast %slice3A_172 : vector<256x1x128xf32> to vector<256x128xf32>
    %mul3A_174 = vector.broadcast %broadcast_in_dim3A_171 : vector<256x1xf32> to vector<256x128xf32>
    %mul3A_175 = arith.mulf %mul3A_174, %squeeze3A_173 : vector<256x128xf32>
    %add3A_176 = arith.addf %add3A_162, %mul3A_175 : vector<256x128xf32>
    %eq3A_177 = arith.constant 9 : i32
    %eq3A_178 = vector.broadcast %eq3A_177 : i32 to vector<256x128xi32>
    %eq3A_179 = arith.cmpi eq, %iota3A, %eq3A_178 : vector<256x128xi32>
    %jit3A_180 = arith.constant 0.000000e+00 : f32
    %broadcast_in_dim3A_181 = vector.broadcast %jit3A_180 : f32 to vector<256x128xf32>
    %select_n3A_182 = arith.select %eq3A_179, %div3A_44, %broadcast_in_dim3A_181 : vector<256x128xi1>, vector<256x128xf32>
    %reduce_sum3A_183 = arith.constant dense<0.000000e+00> : vector<256xf32>
    %reduce_sum3A_184 = vector.multi_reduction <add>, %select_n3A_182, %reduce_sum3A_183 [1] : vector<256x128xf32> to vector<256xf32>
    %broadcast_in_dim3A_185 = vector.shape_cast %reduce_sum3A_184 : vector<256xf32> to vector<256x1xf32>
    %slice3A_186 = vector.extract_strided_slice %reshape3A {offsets = [0, 9, 0], sizes = [256, 1, 128], strides = [1, 1, 1]} : vector<256x16x128xf32> to vector<256x1x128xf32>
    %squeeze3A_187 = vector.shape_cast %slice3A_186 : vector<256x1x128xf32> to vector<256x128xf32>
    %mul3A_188 = vector.broadcast %broadcast_in_dim3A_185 : vector<256x1xf32> to vector<256x128xf32>
    %mul3A_189 = arith.mulf %mul3A_188, %squeeze3A_187 : vector<256x128xf32>
    %add3A_190 = arith.addf %add3A_176, %mul3A_189 : vector<256x128xf32>
    %eq3A_191 = arith.constant 10 : i32
    %eq3A_192 = vector.broadcast %eq3A_191 : i32 to vector<256x128xi32>
    %eq3A_193 = arith.cmpi eq, %iota3A, %eq3A_192 : vector<256x128xi32>
    %jit3A_194 = arith.constant 0.000000e+00 : f32
    %broadcast_in_dim3A_195 = vector.broadcast %jit3A_194 : f32 to vector<256x128xf32>
    %select_n3A_196 = arith.select %eq3A_193, %div3A_44, %broadcast_in_dim3A_195 : vector<256x128xi1>, vector<256x128xf32>
    %reduce_sum3A_197 = arith.constant dense<0.000000e+00> : vector<256xf32>
    %reduce_sum3A_198 = vector.multi_reduction <add>, %select_n3A_196, %reduce_sum3A_197 [1] : vector<256x128xf32> to vector<256xf32>
    %broadcast_in_dim3A_199 = vector.shape_cast %reduce_sum3A_198 : vector<256xf32> to vector<256x1xf32>
    %slice3A_200 = vector.extract_strided_slice %reshape3A {offsets = [0, 10, 0], sizes = [256, 1, 128], strides = [1, 1, 1]} : vector<256x16x128xf32> to vector<256x1x128xf32>
    %squeeze3A_201 = vector.shape_cast %slice3A_200 : vector<256x1x128xf32> to vector<256x128xf32>
    %mul3A_202 = vector.broadcast %broadcast_in_dim3A_199 : vector<256x1xf32> to vector<256x128xf32>
    %mul3A_203 = arith.mulf %mul3A_202, %squeeze3A_201 : vector<256x128xf32>
    %add3A_204 = arith.addf %add3A_190, %mul3A_203 : vector<256x128xf32>
    %eq3A_205 = arith.constant 11 : i32
    %eq3A_206 = vector.broadcast %eq3A_205 : i32 to vector<256x128xi32>
    %eq3A_207 = arith.cmpi eq, %iota3A, %eq3A_206 : vector<256x128xi32>
    %jit3A_208 = arith.constant 0.000000e+00 : f32
    %broadcast_in_dim3A_209 = vector.broadcast %jit3A_208 : f32 to vector<256x128xf32>
    %select_n3A_210 = arith.select %eq3A_207, %div3A_44, %broadcast_in_dim3A_209 : vector<256x128xi1>, vector<256x128xf32>
    %reduce_sum3A_211 = arith.constant dense<0.000000e+00> : vector<256xf32>
    %reduce_sum3A_212 = vector.multi_reduction <add>, %select_n3A_210, %reduce_sum3A_211 [1] : vector<256x128xf32> to vector<256xf32>
    %broadcast_in_dim3A_213 = vector.shape_cast %reduce_sum3A_212 : vector<256xf32> to vector<256x1xf32>
    %slice3A_214 = vector.extract_strided_slice %reshape3A {offsets = [0, 11, 0], sizes = [256, 1, 128], strides = [1, 1, 1]} : vector<256x16x128xf32> to vector<256x1x128xf32>
    %squeeze3A_215 = vector.shape_cast %slice3A_214 : vector<256x1x128xf32> to vector<256x128xf32>
    %mul3A_216 = vector.broadcast %broadcast_in_dim3A_213 : vector<256x1xf32> to vector<256x128xf32>
    %mul3A_217 = arith.mulf %mul3A_216, %squeeze3A_215 : vector<256x128xf32>
    %add3A_218 = arith.addf %add3A_204, %mul3A_217 : vector<256x128xf32>
    %eq3A_219 = arith.constant 12 : i32
    %eq3A_220 = vector.broadcast %eq3A_219 : i32 to vector<256x128xi32>
    %eq3A_221 = arith.cmpi eq, %iota3A, %eq3A_220 : vector<256x128xi32>
    %jit3A_222 = arith.constant 0.000000e+00 : f32
    %broadcast_in_dim3A_223 = vector.broadcast %jit3A_222 : f32 to vector<256x128xf32>
    %select_n3A_224 = arith.select %eq3A_221, %div3A_44, %broadcast_in_dim3A_223 : vector<256x128xi1>, vector<256x128xf32>
    %reduce_sum3A_225 = arith.constant dense<0.000000e+00> : vector<256xf32>
    %reduce_sum3A_226 = vector.multi_reduction <add>, %select_n3A_224, %reduce_sum3A_225 [1] : vector<256x128xf32> to vector<256xf32>
    %broadcast_in_dim3A_227 = vector.shape_cast %reduce_sum3A_226 : vector<256xf32> to vector<256x1xf32>
    %slice3A_228 = vector.extract_strided_slice %reshape3A {offsets = [0, 12, 0], sizes = [256, 1, 128], strides = [1, 1, 1]} : vector<256x16x128xf32> to vector<256x1x128xf32>
    %squeeze3A_229 = vector.shape_cast %slice3A_228 : vector<256x1x128xf32> to vector<256x128xf32>
    %mul3A_230 = vector.broadcast %broadcast_in_dim3A_227 : vector<256x1xf32> to vector<256x128xf32>
    %mul3A_231 = arith.mulf %mul3A_230, %squeeze3A_229 : vector<256x128xf32>
    %add3A_232 = arith.addf %add3A_218, %mul3A_231 : vector<256x128xf32>
    %eq3A_233 = arith.constant 13 : i32
    %eq3A_234 = vector.broadcast %eq3A_233 : i32 to vector<256x128xi32>
    %eq3A_235 = arith.cmpi eq, %iota3A, %eq3A_234 : vector<256x128xi32>
    %jit3A_236 = arith.constant 0.000000e+00 : f32
    %broadcast_in_dim3A_237 = vector.broadcast %jit3A_236 : f32 to vector<256x128xf32>
    %select_n3A_238 = arith.select %eq3A_235, %div3A_44, %broadcast_in_dim3A_237 : vector<256x128xi1>, vector<256x128xf32>
    %reduce_sum3A_239 = arith.constant dense<0.000000e+00> : vector<256xf32>
    %reduce_sum3A_240 = vector.multi_reduction <add>, %select_n3A_238, %reduce_sum3A_239 [1] : vector<256x128xf32> to vector<256xf32>
    %broadcast_in_dim3A_241 = vector.shape_cast %reduce_sum3A_240 : vector<256xf32> to vector<256x1xf32>
    %slice3A_242 = vector.extract_strided_slice %reshape3A {offsets = [0, 13, 0], sizes = [256, 1, 128], strides = [1, 1, 1]} : vector<256x16x128xf32> to vector<256x1x128xf32>
    %squeeze3A_243 = vector.shape_cast %slice3A_242 : vector<256x1x128xf32> to vector<256x128xf32>
    %mul3A_244 = vector.broadcast %broadcast_in_dim3A_241 : vector<256x1xf32> to vector<256x128xf32>
    %mul3A_245 = arith.mulf %mul3A_244, %squeeze3A_243 : vector<256x128xf32>
    %add3A_246 = arith.addf %add3A_232, %mul3A_245 : vector<256x128xf32>
    %eq3A_247 = arith.constant 14 : i32
    %eq3A_248 = vector.broadcast %eq3A_247 : i32 to vector<256x128xi32>
    %eq3A_249 = arith.cmpi eq, %iota3A, %eq3A_248 : vector<256x128xi32>
    %jit3A_250 = arith.constant 0.000000e+00 : f32
    %broadcast_in_dim3A_251 = vector.broadcast %jit3A_250 : f32 to vector<256x128xf32>
    %select_n3A_252 = arith.select %eq3A_249, %div3A_44, %broadcast_in_dim3A_251 : vector<256x128xi1>, vector<256x128xf32>
    %reduce_sum3A_253 = arith.constant dense<0.000000e+00> : vector<256xf32>
    %reduce_sum3A_254 = vector.multi_reduction <add>, %select_n3A_252, %reduce_sum3A_253 [1] : vector<256x128xf32> to vector<256xf32>
    %broadcast_in_dim3A_255 = vector.shape_cast %reduce_sum3A_254 : vector<256xf32> to vector<256x1xf32>
    %slice3A_256 = vector.extract_strided_slice %reshape3A {offsets = [0, 14, 0], sizes = [256, 1, 128], strides = [1, 1, 1]} : vector<256x16x128xf32> to vector<256x1x128xf32>
    %squeeze3A_257 = vector.shape_cast %slice3A_256 : vector<256x1x128xf32> to vector<256x128xf32>
    %mul3A_258 = vector.broadcast %broadcast_in_dim3A_255 : vector<256x1xf32> to vector<256x128xf32>
    %mul3A_259 = arith.mulf %mul3A_258, %squeeze3A_257 : vector<256x128xf32>
    %add3A_260 = arith.addf %add3A_246, %mul3A_259 : vector<256x128xf32>
    %eq3A_261 = arith.constant 15 : i32
    %eq3A_262 = vector.broadcast %eq3A_261 : i32 to vector<256x128xi32>
    %eq3A_263 = arith.cmpi eq, %iota3A, %eq3A_262 : vector<256x128xi32>
    %jit3A_264 = arith.constant 0.000000e+00 : f32
    %broadcast_in_dim3A_265 = vector.broadcast %jit3A_264 : f32 to vector<256x128xf32>
    %select_n3A_266 = arith.select %eq3A_263, %div3A_44, %broadcast_in_dim3A_265 : vector<256x128xi1>, vector<256x128xf32>
    %reduce_sum3A_267 = arith.constant dense<0.000000e+00> : vector<256xf32>
    %reduce_sum3A_268 = vector.multi_reduction <add>, %select_n3A_266, %reduce_sum3A_267 [1] : vector<256x128xf32> to vector<256xf32>
    %broadcast_in_dim3A_269 = vector.shape_cast %reduce_sum3A_268 : vector<256xf32> to vector<256x1xf32>
    %slice3A_270 = vector.extract_strided_slice %reshape3A {offsets = [0, 15, 0], sizes = [256, 1, 128], strides = [1, 1, 1]} : vector<256x16x128xf32> to vector<256x1x128xf32>
    %squeeze3A_271 = vector.shape_cast %slice3A_270 : vector<256x1x128xf32> to vector<256x128xf32>
    %mul3A_272 = vector.broadcast %broadcast_in_dim3A_269 : vector<256x1xf32> to vector<256x128xf32>
    %mul3A_273 = arith.mulf %mul3A_272, %squeeze3A_271 : vector<256x128xf32>
    %add3A_274 = arith.addf %add3A_260, %mul3A_273 : vector<256x128xf32>
    %get3A_275 = arith.constant 4 : index
    %get3A_276 = arith.constant 0 : index
    %get3A_277 = vector.load %arg8[%get3A_275, %get3A_276] : memref<16x128xf32, #tpu.memory_space<vmem>>, vector<1x128xf32>
    %add3A_278 = vector.broadcast %get3A_277 : vector<1x128xf32> to vector<256x128xf32>
    %add3A_279 = arith.addf %add3A_274, %add3A_278 : vector<256x128xf32>
    %get3A_280 = arith.constant 0 : index
    %get3A_281 = arith.constant 0 : index
    %get3A_282 = vector.load %arg4[%get3A_280, %get3A_281] : memref<256x128xf32, #tpu.memory_space<vmem>>, vector<256x128xf32>
    %mul3A_283 = arith.mulf %add3A_279, %get3A_282 : vector<256x128xf32>
    %sqrt3A = arith.constant 1.000010e+00 : f32
    %sqrt3A_284 = math.sqrt %sqrt3A : f32
    %div3A_285 = vector.broadcast %sqrt3A_284 : f32 to vector<256x128xf32>
    %div3A_286 = arith.divf %mul3A_283, %div3A_285 : vector<256x128xf32>
    %get3A_287 = arith.constant 5 : index
    %get3A_288 = arith.constant 0 : index
    %get3A_289 = vector.load %arg8[%get3A_287, %get3A_288] : memref<16x128xf32, #tpu.memory_space<vmem>>, vector<1x128xf32>
    %mul3A_290 = vector.broadcast %get3A_289 : vector<1x128xf32> to vector<256x128xf32>
    %mul3A_291 = arith.mulf %div3A_286, %mul3A_290 : vector<256x128xf32>
    %get3A_292 = arith.constant 6 : index
    %get3A_293 = arith.constant 0 : index
    %get3A_294 = vector.load %arg8[%get3A_292, %get3A_293] : memref<16x128xf32, #tpu.memory_space<vmem>>, vector<1x128xf32>
    %add3A_295 = vector.broadcast %get3A_294 : vector<1x128xf32> to vector<256x128xf32>
    %add3A_296 = arith.addf %mul3A_291, %add3A_295 : vector<256x128xf32>
    %max3A_297 = arith.constant 0.000000e+00 : f32
    %max3A_298 = vector.broadcast %max3A_297 : f32 to vector<256x128xf32>
    %max3A_299 = arith.maximumf %add3A_296, %max3A_298 : vector<256x128xf32>
    %get3A_300 = arith.constant 7 : index
    %get3A_301 = arith.constant 0 : index
    %get3A_302 = vector.load %arg8[%get3A_300, %get3A_301] : memref<16x128xf32, #tpu.memory_space<vmem>>, vector<1x128xf32>
    %mul3A_303 = vector.broadcast %get3A_302 : vector<1x128xf32> to vector<256x128xf32>
    %mul3A_304 = arith.mulf %max3A_299, %mul3A_303 : vector<256x128xf32>
    %reduce_sum3A_305 = arith.constant dense<0.000000e+00> : vector<256xf32>
    %reduce_sum3A_306 = vector.multi_reduction <add>, %mul3A_304, %reduce_sum3A_305 [1] : vector<256x128xf32> to vector<256xf32>
    %broadcast_in_dim3A_307 = vector.shape_cast %reduce_sum3A_306 : vector<256xf32> to vector<256x1xf32>
    %get3A_308 = arith.constant 0 : index
    %get3A_309 = arith.constant 0 : index
    %get3A_310 = vector.load %arg9[%get3A_308, %get3A_309] : memref<256x1xf32, #tpu.memory_space<vmem>>, vector<256x1xf32>
    %add3A_311 = arith.addf %broadcast_in_dim3A_307, %get3A_310 : vector<256x1xf32>
    %swap3A = arith.constant 0 : index
    %swap3A_312 = arith.constant 0 : index
    %swap3A_313 = vector.load %arg10[%swap3A, %swap3A_312] : memref<256x1xf32, #tpu.memory_space<vmem>>, vector<256x1xf32>
    tpu.vector_store %arg10[%swap3A, %swap3A_312], %add3A_311 {strides = array<i32>} : memref<256x1xf32, #tpu.memory_space<vmem>>, vector<256x1xf32>,
    return
  }
  func.func @transform_0(%arg0: i32) -> (i32, i32) {
    %c0_i32 = arith.constant 0 : i32
    %c0_i32_0 = arith.constant 0 : i32
    return %arg0, %c0_i32 : i32, i32
  }
  func.func @transform_1(%arg0: i32) -> (i32, i32) {
    %c0_i32 = arith.constant 0 : i32
    %c0_i32_0 = arith.constant 0 : i32
    return %arg0, %c0_i32 : i32, i32
  }
  func.func @transform_2(%arg0: i32) -> (i32, i32) {
    %c0_i32 = arith.constant 0 : i32
    %c0_i32_0 = arith.constant 0 : i32
    return %arg0, %c0_i32 : i32, i32
  }
  func.func @transform_3(%arg0: i32) -> (i32, i32) {
    %jit3A = arith.constant 40 : i32
    %eq3A = arith.constant 0 : i32
    %eq3A_0 = arith.cmpi eq, %jit3A, %eq3A : i32
    %jit3A_1 = arith.constant 1 : i32
    %select_n3A = arith.select %eq3A_0, %jit3A_1, %jit3A : i32
    %rem3A = arith.remsi %arg0, %select_n3A : i32
    %ne3A = arith.constant 0 : i32
    %ne3A_2 = arith.cmpi ne, %rem3A, %ne3A : i32
    %lt3A = arith.constant 0 : i32
    %lt3A_3 = arith.cmpi slt, %rem3A, %lt3A : i32
    %lt3A_4 = arith.constant 0 : i32
    %lt3A_5 = arith.cmpi slt, %select_n3A, %lt3A_4 : i32
    %ne3A_6 = arith.xori %lt3A_3, %lt3A_5 : i1
    %and3A = arith.andi %ne3A_6, %ne3A_2 : i1
    %add3A = arith.addi %rem3A, %select_n3A : i32
    %select_n3A_7 = arith.select %and3A, %add3A, %rem3A : i32
    %c0_i32 = arith.constant 0 : i32
    %c0_i32_8 = arith.constant 0 : i32
    return %select_n3A_7, %c0_i32 : i32, i32
  }
  func.func @transform_4(%arg0: i32) -> (i32, i32) {
    %jit3A = arith.constant 40 : i32
    %eq3A = arith.constant 0 : i32
    %eq3A_0 = arith.cmpi eq, %jit3A, %eq3A : i32
    %jit3A_1 = arith.constant 1 : i32
    %select_n3A = arith.select %eq3A_0, %jit3A_1, %jit3A : i32
    %rem3A = arith.remsi %arg0, %select_n3A : i32
    %ne3A = arith.constant 0 : i32
    %ne3A_2 = arith.cmpi ne, %rem3A, %ne3A : i32
    %lt3A = arith.constant 0 : i32
    %lt3A_3 = arith.cmpi slt, %rem3A, %lt3A : i32
    %lt3A_4 = arith.constant 0 : i32
    %lt3A_5 = arith.cmpi slt, %select_n3A, %lt3A_4 : i32
    %ne3A_6 = arith.xori %lt3A_3, %lt3A_5 : i1
    %and3A = arith.andi %ne3A_6, %ne3A_2 : i1
    %add3A = arith.addi %rem3A, %select_n3A : i32
    %select_n3A_7 = arith.select %and3A, %add3A, %rem3A : i32
    %c0_i32 = arith.constant 0 : i32
    %c0_i32_8 = arith.constant 0 : i32
    return %select_n3A_7, %c0_i32 : i32, i32
  }
  func.func @transform_5(%arg0: i32) -> (i32, i32) {
    %c0_i32 = arith.constant 0 : i32
    %c0_i32_0 = arith.constant 0 : i32
    return %arg0, %c0_i32 : i32, i32
  }
  func.func @transform_6(%arg0: i32) -> (i32, i32) {
    %c0_i32 = arith.constant 0 : i32
    %c0_i32_0 = arith.constant 0 : i32
    return %arg0, %c0_i32 : i32, i32
  }
  func.func @transform_7(%arg0: i32) -> (i32, i32) {
    %c0_i32 = arith.constant 0 : i32
    %c0_i32_0 = arith.constant 0 : i32
    %c0_i32_1 = arith.constant 0 : i32
    return %c0_i32, %c0_i32_0 : i32, i32
  }
  func.func @transform_8(%arg0: i32) -> (i32, i32) {
    %c0_i32 = arith.constant 0 : i32
    %c0_i32_0 = arith.constant 0 : i32
    return %arg0, %c0_i32 : i32, i32
  }
  func.func @transform_9(%arg0: i32) -> (i32, i32) {
    %c0_i32 = arith.constant 0 : i32
    %c0_i32_0 = arith.constant 0 : i32
    return %arg0, %c0_i32 : i32, i32
  }
}

</mosaic_0001>

<sc_bundles>
// kernel: kernel.7.cloned.1.call-start
scs
__scs_entry_jumppad:
0x0: {  	(pc) =	sbr.rel $0x88, $3  }
0x1: {  	(tag) =	ssettag $0x0;
	lr =	simm.s32 $0x1  }
0x2: {  	[smem:$0x3F95] =	sst lr;
	_ =	strace $0xD0000000  }
0x3: {  	_ = 	snop  }
0x4: {  	_ = 	snop  }
0x5: {  	_ = 	snop  }
0x6: {  	_ = 	snop  }
0x7: {  	_ = 	snop  }
__scs_overlays_trampoline_lowered:
0x8: {  	[smem:$0x3FA4] =	sst s0  }
0x9: {  	[smem:$0x3FA5] =	sst s1  }
0xa: {  	[smem:$0x3FA6] =	sst s2  }
0xb: {  	[smem:$0x3FA7] =	sst s3  }
0xc: {  	[smem:$0x3FA8] =	sst s4  }
0xd: {  	[smem:$0x3FA9] =	sst s5  }
0xe: {  	[smem:$0x3FAA] =	sst s6  }
0xf: {  	[smem:$0x3FAB] =	sst s7  }
0x10: {  	[smem:$0x3FAC] =	sst s8  }
0x11: {  	[smem:$0x3FAD] =	sst s9;
	s0 =	simm.s32 @!p0 $0x0  }
0x12: {  	s1 =	sld [smem:$0x3F93];
	s0 =	simm.s32 @p0 $0x1  }
0x13: {  	[smem:$0x3FAE] =	sst s0;
	s0 =	simm.s32 @!p1 $0x0  }
0x14: {  	s2 =	sld [smem:$0x3F92];
	s0 =	simm.s32 @p1 $0x1  }
0x15: {  	[smem:$0x3FAF] =	sst s0;
	s0 =	simm.s32 @!p2 $0x0  }
0x16: {  	s3 =	sld [smem:$0x3FDB];
	s0 =	simm.s32 @p2 $0x1  }
0x17: {  	s4 =	simm.s32 $0x1BF5;
	[smem:$0x3FB1] =	sst s0  }
0x18: {  	s0 =	sld [smem:$0x3F94];
	_ =	swait.ge [sflag:s4], $0x0  }
0x19: {  	s7 =	sld [smem:$0x3F95]  }
0x1a: {  	s8 =	sadd.s32 $0xFFFFE003, lr  }
0x1b: {  	s9 =	sadd.s32 $0xFFFFFEF7, lr;
	s5 =	simm.s32 $0xFFFFFFFF;
	p2 =	slt.u32 s8, $0xFFFFF086  }
0x1c: {  	p1 =	slt.u32 s9, $0xF7A;
	s5 =	simm.s32 @!p2 $0x0  }
0x1d: {  	s5 =	simm.s32 @p1 $0x1;
	p0 =	seq.s32 s7, s2  }
0x1e: {  	s7 =	smul.u32 @!p0 $0xF7A, s2;
	p2 =	seq.s32 @!p0 s5, $0x0  }
0x1f: {  	s9 =	smul.u32 $0xF7A, s1;
	s8 =	simm.s32 @!p0 $0x1BF5;
	p2 =	por !p2, p0  }
0x20: {  	[sflag:s8] =	ssyncset.s32 @!p0 $0xFFFFF086;
	s6 =	sadd.s32 @!p0 s3, s7;
	s7 =	simm.s32 @!p0 $0x108  }
0x21: {  	s3 =	sadd.s32 s3, s9;
	s6 =	sadd.s32 @!p0 $0x88, s6;
	s7 =	simm.s32 @p2 $0x1082  }
0x22: {  	[simem:s7], [sflag:s8] =	dma.local @!p0 [hbm:s6], $0xF7A  }
0x23: {  	s9 =	sor.u32 $0xD0000000, s2;
	s6 =	simm.s32 $0x108;
	_ =	swait.ge @!p0 [sflag:s8], $0x0  }
0x24: {  	s3 =	sadd.s32 $0x88, s3;
	s6 =	simm.s32 @!p1 $0x1082;
	[sflag:s4] =	ssyncset.s32 $0xFFFFF086  }
0x25: {  	[simem:s6], [sflag:s4] =	dma.local [hbm:s3], $0xF7A  }
0x26: {  	[smem:$0x3F95] =	sst s1;
	(tag) =	ssettag s2;
	_ =	strace s9  }
0x27: {  	s1 =	sld [smem:$0x3FA5]  }
0x28: {  	s2 =	sld [smem:$0x3FA6]  }
0x29: {  	s4 =	sld [smem:$0x3FA8]  }
0x2a: {  	p0 =	seq.s32 s5, $0x0;
	s5 =	sld [smem:$0x3FA9]  }
0x2b: {  	s6 =	sld [smem:$0x3FAA]  }
0x2c: {  	s7 =	sld [smem:$0x3FAB]  }
0x2d: {  	s3 =	simm.s32 $0x108;
	s8 =	sld [smem:$0x3FAC]  }
0x2e: {  	s3 =	simm.s32 @!p0 $0x1082;
	s9 =	sld [smem:$0x3FAD]  }
0x2f: {  	lr =	sadd.s32 s0, s3;
	s0 =	sld [smem:$0x3FA4]  }
0x30: {  	s3 =	sld [smem:$0x3FA7]  }
0x31: {  	[smem:$0x3FB0] =	sst s10  }
0x32: {  	s10 =	sld [smem:$0x3FAE];
	_ =	sdelay $0x3  }
0x33: {  	p0 =	seq.s32 s10, $0x1;
	s10 =	sld [smem:$0x3FB0];
	_ =	sdelay $0x3  }
0x34: {  	[smem:$0x3FB0] =	sst s10  }
0x35: {  	s10 =	sld [smem:$0x3FAF];
	_ =	sdelay $0x3  }
0x36: {  	p1 =	seq.s32 s10, $0x1;
	s10 =	sld [smem:$0x3FB0];
	_ =	sdelay $0x3  }
0x37: {  	[smem:$0x3FB0] =	sst s10  }
0x38: {  	s10 =	sld [smem:$0x3FB1]  }
0x39: {  	_ = 	snop;
	(pc) =	sbr.ind lr, $3  }
0x3a: {  	_ = 	snop  }
0x3b: {  	_ = 	snop  }
0x3c: {  	p2 =	seq.s32 s10, $0x1;
	s10 =	sld [smem:$0x3FB0]  }
0x3d: {  	_ =	shalt  }
0x3e: {  	_ =	shalt  }
0x3f: {  	_ =	shalt  }
0x40: {  	_ =	shalt  }
0x41: {  	_ =	shalt  }
0x42: {  	_ =	shalt  }
0x43: {  	_ =	shalt  }
0x44: {  	_ =	shalt  }
0x45: {  	_ =	shalt  }
0x46: {  	_ =	shalt  }
0x47: {  	_ =	shalt  }
0x48: {  	_ =	shalt  }
0x49: {  	_ =	shalt  }
0x4a: {  	_ =	shalt  }
0x4b: {  	_ =	shalt  }
0x4c: {  	_ =	shalt  }
0x4d: {  	_ =	shalt  }
0x4e: {  	_ =	shalt  }
0x4f: {  	_ =	shalt  }
0x50: {  	_ =	shalt  }
0x51: {  	_ =	shalt  }
0x52: {  	_ =	shalt  }
0x53: {  	_ =	shalt  }
0x54: {  	_ =	shalt  }
0x55: {  	_ =	shalt  }
0x56: {  	_ =	shalt  }
0x57: {  	_ =	shalt  }
0x58: {  	_ =	shalt  }
0x59: {  	_ =	shalt  }
0x5a: {  	_ =	shalt  }
0x5b: {  	_ =	shalt  }
0x5c: {  	_ =	shalt  }
0x5d: {  	_ =	shalt  }
0x5e: {  	_ =	shalt  }
0x5f: {  	_ =	shalt  }
0x60: {  	_ =	shalt  }
0x61: {  	_ =	shalt  }
0x62: {  	_ =	shalt  }
0x63: {  	_ =	shalt  }
0x64: {  	_ =	shalt  }
0x65: {  	_ =	shalt  }
0x66: {  	_ =	shalt  }
0x67: {  	_ =	shalt  }
0x68: {  	_ =	shalt  }
0x69: {  	_ =	shalt  }
0x6a: {  	_ =	shalt  }
0x6b: {  	_ =	shalt  }
0x6c: {  	_ =	shalt  }
0x6d: {  	_ =	shalt  }
0x6e: {  	_ =	shalt  }
0x6f: {  	_ =	shalt  }
0x70: {  	_ =	shalt  }
0x71: {  	_ =	shalt  }
0x72: {  	_ =	shalt  }
0x73: {  	_ =	shalt  }
0x74: {  	_ =	shalt  }
0x75: {  	_ =	shalt  }
0x76: {  	_ =	shalt  }
0x77: {  	_ =	shalt  }
0x78: {  	_ =	shalt  }
0x79: {  	_ =	shalt  }
0x7a: {  	_ =	shalt  }
0x7b: {  	_ =	shalt  }
0x7c: {  	_ =	shalt  }
0x7d: {  	_ =	shalt  }
0x7e: {  	_ =	shalt  }
0x7f: {  	_ =	shalt  }
0x80: {  	_ =	shalt  }
0x81: {  	_ =	shalt  }
0x82: {  	_ =	shalt  }
0x83: {  	_ =	shalt  }
0x84: {  	_ =	shalt  }
0x85: {  	_ =	shalt  }
0x86: {  	_ =	shalt  }
0x87: {  	_ =	shalt  }
.Lfunc_end0:
.L_simem_size_0:
called_computation_lowered:
.L_overlay_start_0:
0x88: {  	s2 =	sld [smem:$0x3FD9]  }
0x89: {  	s3 =	sld [smem:$0x3FFE];
	_ =	sdelay $0x1  }
0x8a: {  	s1 =	srdreg.scid  }
0x8b: {  	s0 =	sand.u32 $0x1, s1  }
0x8c: {  	s16 =	sshll.u32 s0, $0xA;
	s2 =	sadd.s32 s3, s2  }
0x8d: {  	s2 =	sadd.s32 s2, s16  }
0x8e: {  	[smem:$0x3FBC] =	sst s2  }
0x8f: {  	_ = 	snop  }
0x90: {  	(tm) =	ssettm $0x1  }
0x91: {  	s17 =	sld [smem:$0x3FFB];
	_ =	sdelay $0x3  }
0x92: {  	_ =	strace s17  }
0x93: {  	s2 =	sld [smem:$0x3FFC];
	_ =	sdelay $0x3  }
0x94: {  	_ =	strace s2  }
0x95: {  	s2 =	sld [smem:$0x3FFD];
	_ =	sdelay $0x3  }
0x96: {  	_ =	strace s2  }
0x97: {  	_ =	strace $0x8FFFFFFF  }
0x98: {  	s18 =	sld [smem:$0x3FDB];
	_ =	sdelay $0x1  }
0x99: {  	s19 =	simm.s32 $_scs_section_size  }
0x9a: {  	s4 =	simm.s32 $_size__tile_overlayer_lowered;
	s5 =	simm.s32 $_tile_overlayer_lowered  }
0x9b: {  	s22 =	simm.s32 $0x1BFF;
	s21 =	sshll.u32 s5, $0x1;
	s2 =	sadd.s32 s19, s18  }
0x9c: {  	s6 =	simm.s32 $0x0;
	s20 =	sshll.u32 s4, $0x1;
	s4 =	sadd.s32 s21, s2  }
0x9d: {  	[timem:s6], [sflag:s22] =	dma.local [hbm:s4], s20  }
0x9e: {  	_ =	swait.ge [sflag:s22], s20  }
0x9f: {  	s3 =	ssub.s32 $0x0, s20;
	[sflag:s22] =	ssyncset.done $0x0  }
0xa0: {  	[sflag:s22] =	ssyncadd.s32 s3;
	_ =	sdelay $0x1  }
0xa1: {  	s23 =	simm.s32 $0x1B8B  }
0xa2: {  	_ =	swait.ge [sflag:s23], $0x1  }
0xa3: {  	[sflag:s23] =	ssyncset.done $0x0  }
0xa4: {  	s25 =	simm.s32 $0x1B8E;
	s24 =	sld [smem:$0x3FFE];
	[sflag:s23] =	ssyncadd.s32 $0xFFFFFFFF  }
0xa5: {  	s26 =	simm.s32 $execute0_lowered;
	[smem:$0x3FD2] =	sst s25  }
0xa6: {  	s4 =	sshll.u32 s26, $0x1;
	_ =	strace $0x80000046;
	[dreg:$0x1] =	wrdreg $0xFFFFFFFF  }
0xa7: {  	s28 =	simm.s32 $_size_execute0_lowered;
	s2 =	sadd.s32 s2, s4;
	[dreg:$0x0] =	wrdreg $0x0  }
0xa8: {  	s4 =	sshll.u32 s28, $0x1;
	[dreg:$0x2] =	wrdreg s2  }
0xa9: {  	[dreg:$0x3] =	wrdreg s4  }
0xaa: {  	[dreg:$0x4] =	wrdreg $0xC0  }
0xab: {  	_ =	task [dreg:s6], $0x5FFFF  }
0xac: {  	[dreg:$0x1] =	wrdreg $0xFFFFFFFF  }
0xad: {  	[dreg:$0x0] =	wrdreg $0x60  }
0xae: {  	[dreg:$0x2] =	wrdreg s24  }
0xaf: {  	[dreg:$0x3] =	wrdreg $0x9  }
0xb0: {  	_ =	task.clear_ibuf [dreg:s6], $0x4FFFF;
	_ =	strace $0x90000046  }
0xb1: {  	s29 =	simm.s32 $0x9;
	_ =	strace $0x80000048  }
0xb2: {  	_ =	swait.ge [sflag:s29], $0x1  }
0xb3: {  	[sflag:s29] =	ssyncadd.s32 $0xFFFFFFFF  }
0xb4: {  	_ =	strace $0x90000048  }
0xb5: {  	_ =	sfence  }
0xb6: {  	s30 =	sld [smem:$0x0];
	_ =	sdelay $0x2  }
0xb7: {  	s31 =	sshll.u32 s1, $0xD;
	s1 =	sshrl.u32 s1, $0x2  }
0xb8: {  	s3 =	sand.u32 $0x4000, s31;
	s1 =	sadd.s32 s1, s30  }
0xb9: {  	s0 =	sor.u32 s3, s0;
	s1 =	sshll.u32 s1, $0x11  }
0xba: {  	s0 =	sor.u32 s1, s0  }
0xbb: {  	s0 =	sadd.s32 $0x8F2B, s0  }
0xbc: {  	[sflag:s0] =	ssyncadd.remote.s32 $0x1  }
0xbd: {  	_ =	sfence.sel $0xFFFF  }
0xbe: {  	[dreg:$0x0] =	wrdreg $0xFFFFFFFF;
	(pc) =	sbr.abs _section_cstart, $3  }
0xbf: {  	[dreg:$0x1] =	wrdreg $0xFFFFFFFF  }
0xc0: {  	_ =	task.clear_ibuf [dreg:s6], $0x2FFFF;
	_ =	strace $0x9FFFFFFF  }
0xc1: {  	(tm) =	ssettm $0x7FFFFFFF  }
tec
execute0_lowered:
.L_overlay_start_1:
0x0: {  	(tag) =	ssettag $0x1  }
0x1: {  	s0 =	stileid.u32;
	s5 =	rddreg [dreg:$0x0]  }
0x2: {  	s1 =	rddreg [dreg:$0x1];
	s3 =	sand.u32 $0x7, s0  }
0x3: {  	s6 =	srdreg.scid;
	s2 =	sshrl.u32 s0, $0x3;
	s4 =	smul.u32 $0x9C4, s3  }
0x4: {  	s12 =	simm.s32 $0x100;
	s13 =	simm.s32 $0x2900;
	s14 =	smul.u32 $0x2800, s2  }
0x5: {  	s15 =	simm.s32 $0x2;
	s6 =	sand.u32 $0x1, s6;
	s3 =	smul.u32 $0x4E2, s3  }
0x6: {  	s16 =	simm.s32 $0x0;
	s2 =	simm.s32 $0x0;
	s7 =	smul.u32 $0x271, s6  }
0x7: {  	s10 =	ssub.s32 $0x2, s6;
	s6 =	smul.u32 $0x4E2, s6;
	[smem:$0x7FF] =	sst s2  }
0x8: {  	s11 =	sshrl.u32 s10, $0x1;
	_ =	strace $0x80000047;
	s8 =	sadd.s32 s4, s5  }
0x9: {  	s9 =	sadd.s32 s3, s14;
	s3 =	sadd.s32 $0x5A00, s5;
	s4 =	sadd.s32 $0xF5A00, s5  }
0xa: {  	s31 =	ssub.s32 s10, s11;
	s10 =	simm.s32 $0x50;
	s11 =	simm.s32 $0x80  }
0xb: {  	v0 =	vmov s14;
	s14 =	simm.s32 $0x1;
	s7 =	sadd.s32 s7, s9;
	s6 =	sadd.s32 s6, s8  }
0xc: {  	s9 =	sshll.u32 s7, $0x8;
	s7 =	sshll.u32 s7, $0x1;
	s6 =	sadd.s32 $0xA00, s6  }
0xd: {  	s9 =	sadd.s32 s9, s5;
	s7 =	sadd.s32 s7, s5;
	s5 =	smax.u32 s31, $0x1  }
0xe: {  	s7 =	sadd.s32 $0xF6400, s7;
	s8 =	sadd.s32 $0x100400, s9;
	s9 =	simm.s32 $0x3  }
.LBB2_1:
0xf: {  	s17 =	sadd.s32 $0x0, s6  }
0x10: {  	[tilespmem:s2], [sflag:$0x3] =	stream.linear.gather [hbm4b:s17+s2], $0x50, $0x38;
	[tilespmem:$0x2980] =	vst v63  }
0x11: {  	_ =	swait.ge [sflag:s9], $0x50  }
0x12: {  	[sflag:s9] =	ssyncset.done $0x0  }
0x13: {  	[sflag:s9] =	ssyncadd.s32 $0xFFFFFFB0  }
0x14: {  	v1 =	vld [tilespmem:$0x40]  }
0x15: {  	v2 =	vld [tilespmem:$0x20]  }
0x16: {  	v3 =	vld [tilespmem:$0x30]  }
0x17: {  	v4 =	vld [tilespmem:$0x10]  }
0x18: {  	v5 =	vld [tilespmem:$0x0]  }
0x19: {  	v1 =	vadd.s32 v0, v1  }
0x1a: {  	v2 =	vadd.s32 v0, v2;
	[tilespmem:$0xC0] =	vst v1  }
0x1b: {  	[tilespmem:$0xA0] =	vst v2;
	v1 =	vadd.s32 v0, v3  }
0x1c: {  	v2 =	vadd.s32 v0, v4;
	[tilespmem:$0xB0] =	vst v1  }
0x1d: {  	v1 =	vadd.s32 v0, v5;
	[tilespmem:$0x90] =	vst v2  }
0x1e: {  	[tilespmem:$0x80] =	vst v1  }
0x1f: {  	[tilespmem:s12], [sflag:$0x1] =	stream.indirect.gather [hbm4b:s3+s10], $0x80, s11, s10, $0xb8;
	[tilespmem:$0x2980] =	vst v63  }
0x20: {  	_ = 	snop  }
0x21: {  	[tilespmem:s13], [sflag:$0x2] =	stream.indirect.gather [hbm4b:s4+s10], $0x1, s11, s10, $0xb8;
	[tilespmem:$0x2980] =	vst v63  }
0x22: {  	_ =	swait.ge [sflag:s14], $0x2800  }
0x23: {  	[sflag:s14] =	ssyncset.done $0x0  }
0x24: {  	[sflag:s14] =	ssyncadd.s32 $0xFFFFD800  }
0x25: {  	_ =	swait.ge [sflag:s15], $0x50  }
0x26: {  	[sflag:s15] =	ssyncset.done $0x0  }
0x27: {  	[sflag:s15] =	ssyncadd.s32 $0xFFFFFFB0  }
0x28: {  	[hbm4b:s8+s2] =	stream.linear.scatter [tilespmem:s12], [sflag:$0x3], $0x2800, $0x38;
	[tilespmem:$0x2980] =	vst v63  }
0x29: {  	s20 =	simm.s32 $0xA;
	_ =	swait.ge [sflag:s9], $0x2800  }
0x2a: {  	s18 =	sadd.s32 $0x500, s8;
	s17 =	sadd.s32 $0x0, s7;
	[sflag:s9] =	ssyncset.done $0x0  }
.LBB2_2:
0x2b: {  	s21 =	sadd.s32 s20, s7  }
0x2c: {  	[sflag:s9] =	ssyncadd.s32 $0xFFFFD800;
	s22 =	smov.u32 s20;
	s19 =	sadd.s32 $0xA, s20  }
0x2d: {  	[hbm4b:s17+s2] =	stream.linear.scatter [tilespmem:s13], [sflag:$0x3], $0x50, $0x38;
	[tilespmem:$0x2980] =	vst v63  }
0x2e: {  	p0 =	sne.s32 s20, $0x4D8;
	s17 =	smov.u32 s21;
	_ =	swait.ge [sflag:s9], $0x50  }
0x2f: {  	[sflag:s9] =	ssyncset.done $0x0  }
0x30: {  	s20 =	sadd.s32 s22, s6;
	[sflag:s9] =	ssyncadd.s32 $0xFFFFFFB0  }
0x31: {  	[tilespmem:s2], [sflag:$0x3] =	stream.linear.gather [hbm4b:s20+s2], $0x50, $0x38;
	[tilespmem:$0x2980] =	vst v63  }
0x32: {  	_ =	swait.ge [sflag:s9], $0x50  }
0x33: {  	[sflag:s9] =	ssyncset.done $0x0  }
0x34: {  	[sflag:s9] =	ssyncadd.s32 $0xFFFFFFB0  }
0x35: {  	v1 =	vld [tilespmem:$0x40]  }
0x36: {  	v2 =	vld [tilespmem:$0x20]  }
0x37: {  	v3 =	vld [tilespmem:$0x30]  }
0x38: {  	v4 =	vld [tilespmem:$0x10]  }
0x39: {  	v5 =	vld [tilespmem:$0x0]  }
0x3a: {  	v1 =	vadd.s32 v0, v1  }
0x3b: {  	v2 =	vadd.s32 v0, v2;
	[tilespmem:$0xC0] =	vst v1  }
0x3c: {  	[tilespmem:$0xA0] =	vst v2;
	v1 =	vadd.s32 v0, v3  }
0x3d: {  	v2 =	vadd.s32 v0, v4;
	[tilespmem:$0xB0] =	vst v1  }
0x3e: {  	v1 =	vadd.s32 v0, v5;
	[tilespmem:$0x90] =	vst v2  }
0x3f: {  	[tilespmem:$0x80] =	vst v1  }
0x40: {  	[tilespmem:s12], [sflag:$0x1] =	stream.indirect.gather [hbm4b:s3+s10], $0x80, s11, s10, $0xb8;
	[tilespmem:$0x2980] =	vst v63  }
0x41: {  	_ = 	snop  }
0x42: {  	[tilespmem:s13], [sflag:$0x2] =	stream.indirect.gather [hbm4b:s4+s10], $0x1, s11, s10, $0xb8;
	[tilespmem:$0x2980] =	vst v63  }
0x43: {  	_ =	swait.ge [sflag:s14], $0x2800  }
0x44: {  	[sflag:s14] =	ssyncset.done $0x0  }
0x45: {  	[sflag:s14] =	ssyncadd.s32 $0xFFFFD800  }
0x46: {  	_ =	swait.ge [sflag:s15], $0x50  }
.Ltmp0:
0x47: {  	[sflag:s15] =	ssyncset.done $0x0;
	(pc) =	sbr.rel @p0 .LBB2_2-.Ltmp0, $4  }
0x48: {  	[sflag:s15] =	ssyncadd.s32 $0xFFFFFFB0  }
0x49: {  	[hbm4b:s18+s2] =	stream.linear.scatter [tilespmem:s12], [sflag:$0x3], $0x2800, $0x38;
	[tilespmem:$0x2980] =	vst v63  }
0x4a: {  	_ =	swait.ge [sflag:s9], $0x2800  }
0x4b: {  	s20 =	smov.u32 s19;
	s18 =	sadd.s32 $0x500, s18;
	[sflag:s9] =	ssyncset.done $0x0  }
0x4c: {  	s16 =	sadd.s32 $0x1, s16  }
0x4d: {  	p0 =	sne.s32 s16, s5  }
.Ltmp1:
0x4e: {  	[sflag:s9] =	ssyncadd.s32 $0xFFFFD800;
	(pc) =	sbr.rel @p0 .LBB2_1-.Ltmp1, $4  }
0x4f: {  	[hbm4b:s17+s2] =	stream.linear.scatter [tilespmem:s13], [sflag:$0x3], $0x50, $0x38;
	[tilespmem:$0x2980] =	vst v63  }
0x50: {  	_ =	swait.ge [sflag:s9], $0x50  }
0x51: {  	[sflag:s9] =	ssyncset.done $0x0  }
0x52: {  	[sflag:s9] =	ssyncadd.s32 $0xFFFFFFB0  }
0x53: {  	_ =	sfence.sel $0x180000  }
0x54: {  	[bflag:$0x0] =	sbarrier.arrive $0xFFFF  }
0x55: {  	p0 =	sne.s32 s0, $0x0;
	_ =	strace $0x90000047  }
0x56: {  	s0 =	sadd.s32 @!p0 $0x100000, s1;
	[bflag:$0x2] =	sbarrier.arrive $0xFFFF  }
0x57: {  	[sflag:s0] =	ssyncadd.tile.s32 @!p0 $0x1;
	_ =	shalt  }
.Lfunc_end2:
_tile_overlayer_lowered:
.L_overlay_start_2:
0x58: {  	(tag) =	ssettag $0x2  }
0x59: {  	s0 =	rddreg [dreg:$0x0];
	s2 =	stileid.u32  }
0x5a: {  	s1 =	rddreg [dreg:$0x1];
	p0 =	sne.s32 s2, $0x0  }
0x5b: {  	s3 =	rddreg [dreg:$0x2];
	[bflag:$0x3] =	sbarrier.arrive $0xFFFF;
	s2 =	simm.s32 @!p0 $0x1C03  }
0x5c: {  	[timem:s3], [sflag:s2] =	dma.local @!p0 [hbm:s0], s1  }
0x5d: {  	s0 =	simm.s32 @!p0 $0x3  }
0x5e: {  	_ =	swait.ge @!p0 [sflag:s0], s1  }
0x5f: {  	s1 =	ssub.s32 @!p0 $0x0, s1;
	[sflag:s0] =	ssyncset.done @!p0 $0x0  }
0x60: {  	[sflag:s0] =	ssyncadd.s32 @!p0 s1  }
0x61: {  	[bflag:$0x3] =	sbarrier.arrive $0xFFFF  }
0x62: {  	_ =	shalt  }

</sc_bundles>
